<compile_context>
chip_gen: v7x
topology: tpu7x:2x2x1
jax: 0.10.2.dev20260603
libtpu: 0.0.44.dev20260713+nightly
codegen_flags: <defaults>
</compile_context>

<pallas_src>
import functools

import jax
import jax.numpy as jnp
from jax import lax
from jax.experimental import pallas as pl
from jax.experimental.pallas import tpu as pltpu
from jax.experimental.pallas import tpu_sc as plsc

_T = 1026
_TO = 1024
_N = 10000
_B = 4
_NBK = 2048
_NPAD = 10240

_E = 65536
_NSUB = 16
_EPW = _E // _NSUB
_CHUNK = 128
_NCH = _EPW // _CHUNK



def _conv_tc_body(w_ref, x_ref, c_ref, o_ref, acc_ref):
    nb = pl.program_id(1)

    @pl.when(nb == 0)
    def _():
        acc_ref[...] = jnp.zeros_like(acc_ref)

    xb = x_ref[...].reshape(_T, _NBK)
    lane = jax.lax.broadcasted_iota(jnp.int32, (_T, _NBK), 1) + nb * _NBK
    xb = jnp.where(lane < _N, xb, 0.0)
    acc_ref[...] += jnp.dot(xb, w_ref[...],
                            preferred_element_type=jnp.float32)

    @pl.when(nb == pl.num_programs(1) - 1)
    def _():
        m = acc_ref[...]
        b0 = c_ref[0]
        b1 = c_ref[1]
        gw = c_ref[2]
        p = m[0:_TO, 0:1] + m[1:_TO + 1, 1:2] + m[2:_TO + 2, 2:3] + b0
        q = m[0:_TO, 3:4] + m[1:_TO + 1, 4:5] + m[2:_TO + 2, 5:6] + b1
        g = p * (gw / (1.0 + jnp.exp(-q)))
        o_ref[0] = jnp.transpose(g)


def _conv_glu(xv, w6p, consts):
    return pl.pallas_call(
        _conv_tc_body,
        grid=(_B, _NPAD // _NBK),
        in_specs=[
            pl.BlockSpec((_NBK, 8), lambda b, nb: (nb, 0)),
            pl.BlockSpec((_T, 1, _NBK), lambda b, nb: (b, 0, nb)),
            pl.BlockSpec(memory_space=pltpu.SMEM),
        ],
        out_specs=pl.BlockSpec((1, 1, _TO), lambda b, nb: (b, 0, 0)),
        out_shape=jax.ShapeDtypeStruct((_B, 1, _TO), jnp.float32),
        scratch_shapes=[pltpu.VMEM((_T, 8), jnp.float32)],
        compiler_params=pltpu.CompilerParams(
            dimension_semantics=("arbitrary", "arbitrary")),
    )(w6p, xv, consts)



def _deg_sc_body(col2_hbm, dinv_o, col2_v, ones_v, zb_v, deg64_v,
                 dinv64_v, deg_sh):
    cid = lax.axis_index("c")

    @pl.when(cid == 0)
    def _():
        wid = lax.axis_index("s")
        pltpu.sync_copy(col2_hbm.at[pl.ds(wid * _NCH, _NCH)], col2_v)

        ones16 = jnp.full((16,), 1.0, jnp.float32)
        zero16 = jnp.zeros((16,), jnp.float32)

        def fill_ones(i, c):
            ones_v[pl.ds(i * 16, 16)] = ones16
            return c
        lax.fori_loop(0, _CHUNK // 16, fill_ones, 0)

        def fill_zb(i, c):
            zb_v[pl.ds(i * 16, 16)] = zero16
            return c
        lax.fori_loop(0, _TO // 16, fill_zb, 0)

        @pl.when(wid == 0)
        def _():
            pltpu.sync_copy(zb_v, deg_sh)

        plsc.subcore_barrier()

        def deg_chunk(j, c):
            pltpu.sync_copy(ones_v, deg_sh.at[col2_v.at[j]], add=True)
            return c
        lax.fori_loop(0, _NCH, deg_chunk, 0)

        plsc.subcore_barrier()

        pltpu.sync_copy(deg_sh.at[pl.ds(wid * 64, 64)], deg64_v)

        def dinv_loop(i, c):
            d = deg64_v[pl.ds(i * 16, 16)] + 1.0
            ii = lax.bitcast_convert_type(d, jnp.int32)
            ii = 0x5F3759DF - lax.shift_right_logical(ii, 1)
            y = lax.bitcast_convert_type(ii, jnp.float32)
            y = y * (1.5 - 0.5 * d * y * y)
            y = y * (1.5 - 0.5 * d * y * y)
            y = y * (1.5 - 0.5 * d * y * y)
            dinv64_v[pl.ds(i * 16, 16)] = y
            return c
        lax.fori_loop(0, 4, dinv_loop, 0)

        pltpu.sync_copy(dinv64_v, dinv_o.at[pl.ds(wid * 64, 64)])


def _deg_sc(col2):
    mesh = plsc.VectorSubcoreMesh(core_axis_name="c", subcore_axis_name="s")
    f = functools.partial(
        pl.kernel,
        mesh=mesh,
        compiler_params=pltpu.CompilerParams(needs_layout_passes=False,
                                             use_tc_tiling_on_sc=False),
        out_type=jax.ShapeDtypeStruct((_TO,), jnp.float32),
        scratch_types=[
            pltpu.VMEM((_NCH, _CHUNK), jnp.int32),
            pltpu.VMEM((_CHUNK,), jnp.float32),
            pltpu.VMEM((_TO,), jnp.float32),
            pltpu.VMEM((64,), jnp.float32),
            pltpu.VMEM((64,), jnp.float32),
            pltpu.VMEM_SHARED((_TO,), jnp.float32),
        ],
    )(_deg_sc_body)
    return f(col2)



def _gcn_sc_body(row_hbm, col2_hbm, xw_hbm, dinv_hbm, zer_hbm, gb_hbm,
                 out_hbm, row_v, col2_v, msg_v, xw_v, z_v,
                 dinv_v, acc_v, outb_v, gb_v, acc_sh):
    cid = lax.axis_index("c")
    wid = lax.axis_index("s")
    base = wid * _EPW
    iota = lax.iota(jnp.int32, 16)
    lo1 = lax.shift_right_logical(iota, 1)
    b1 = lax.bitwise_and(iota, 1)

    pltpu.sync_copy(row_hbm.at[pl.ds(base, _EPW)], row_v)
    pltpu.sync_copy(col2_hbm.at[pl.ds(wid * _NCH, _NCH)], col2_v)
    pltpu.sync_copy(xw_hbm, xw_v)
    pltpu.sync_copy(dinv_hbm, dinv_v)
    pltpu.sync_copy(gb_hbm, gb_v)

    @pl.when(wid == 0)
    def _():
        pltpu.sync_copy(zer_hbm, acc_sh)

    plsc.subcore_barrier()

    xwoff = b1 * _TO + cid * (2 * _TO)

    def z_loop(i, c):
        c8 = lo1 + i * 8
        xwt = plsc.load_gather(xw_v, [xwoff + c8])
        d8 = plsc.load_gather(dinv_v, [c8])
        z_v[pl.ds(i * 16, 16)] = xwt * d8
        return c
    lax.fori_loop(0, (2 * _TO) // 16, z_loop, 0)

    def m_loop(j, c):
        e8 = lo1 + j * 8
        r8 = plsc.load_gather(row_v, [e8])
        vals = plsc.load_gather(z_v, [r8 * 2 + b1])
        jc = lax.shift_right_logical(e8, 7)
        ec = lax.bitwise_and(e8, _CHUNK - 1)
        plsc.store_scatter(msg_v, [jc, ec, b1], vals)
        return c
    lax.fori_loop(0, _EPW // 8, m_loop, 0)

    def add_chunk(j, c):
        pltpu.sync_copy(msg_v.at[j], acc_sh.at[col2_v.at[j]], add=True)
        return c
    lax.fori_loop(0, _NCH, add_chunk, 0)

    plsc.subcore_barrier()

    bl = lax.shift_right_logical(wid, 3)
    c0 = lax.bitwise_and(wid, 7) * 128
    pltpu.sync_copy(acc_sh.at[pl.ds(c0, 128)], acc_v)
    gbv = gb_v[...]
    bb = jnp.full((16,), 0, jnp.int32) + bl

    def out_loop(i, c):
        cl = i * 16 + iota
        av = plsc.load_gather(acc_v, [cl, bb])
        zv = plsc.load_gather(z_v, [(c0 + cl) * 2 + bl])
        dv = dinv_v[pl.ds(c0 + i * 16, 16)]
        outb_v[pl.ds(i * 16, 16)] = dv * (av + zv) + gbv
        return c
    lax.fori_loop(0, 8, out_loop, 0)

    pltpu.sync_copy(outb_v,
                    out_hbm.at[pl.ds((cid * 2 + bl) * _TO + c0, 128)])


def _gcn_sc(row, col2, xw_flat, dinv, zer, gb16):
    mesh = plsc.VectorSubcoreMesh(core_axis_name="c", subcore_axis_name="s")
    f = functools.partial(
        pl.kernel,
        mesh=mesh,
        compiler_params=pltpu.CompilerParams(needs_layout_passes=False,
                                             use_tc_tiling_on_sc=False),
        out_type=jax.ShapeDtypeStruct((_B * _TO,), jnp.float32),
        scratch_types=[
            pltpu.VMEM((_EPW,), jnp.int32),
            pltpu.VMEM((_NCH, _CHUNK), jnp.int32),
            pltpu.VMEM((_NCH, _CHUNK, 16), jnp.float32),
            pltpu.VMEM((_B * _TO,), jnp.float32),
            pltpu.VMEM((2 * _TO,), jnp.float32),
            pltpu.VMEM((_TO,), jnp.float32),
            pltpu.VMEM((128, 16), jnp.float32),
            pltpu.VMEM((128,), jnp.float32),
            pltpu.VMEM((16,), jnp.float32),
            pltpu.VMEM_SHARED((_TO, 16), jnp.float32),
        ],
    )(_gcn_sc_body)
    return f(row, col2, xw_flat, dinv, zer, gb16)


def kernel(x, edge_index, hot_vector, conv1_w, conv1_b, gcn_w, gcn_b):
    del hot_vector
    xv = jnp.transpose(x, (0, 3, 2, 1)).reshape(_B * _T, 1, _N)
    w6 = jnp.transpose(conv1_w, (1, 0, 2)).reshape(_N, 6)
    w6p = jnp.pad(w6, ((0, _NPAD - _N), (0, 2)))
    consts = jnp.concatenate([conv1_b, gcn_w[0]]).astype(jnp.float32)

    g = _conv_glu(xv, w6p, consts)

    row = edge_index[0, 0]
    col = edge_index[0, 1]
    col2 = col.reshape(_E // _CHUNK, _CHUNK)
    zer = jnp.zeros((_TO, 16), jnp.float32)
    gb16 = jnp.broadcast_to(gcn_b.astype(jnp.float32), (16,))

    dinv = _deg_sc(col2)
    out_flat = _gcn_sc(row, col2, g.reshape(_B * _TO), dinv, zer, gb16)
    return out_flat.reshape(_B, 1, _TO, 1)

# --- scband reference (transcript-rebuilt; emitter-appended) ---
"""Pipeline reference for scband-traffic-prediction-model-35665408426660 (READ-ONLY COPY).

The authoritative reference and input builder live on the scoring server;
editing this copy changes nothing except your own understanding.
"""

import jax, jax.numpy as jnp
import numpy as np


def setup_inputs(seed: int = 0) -> dict:
    key = jax.random.key(seed)
    ks = jax.random.split(key, 6)
    x = jax.random.normal(ks[0], (4, 10000, 1, 1026), dtype=jnp.float32)
    edge_index = jax.random.randint(ks[1], (1, 2, 65536), 0, 1024, dtype=jnp.int32)
    hot_vector = jax.random.normal(ks[2], (4, 5), dtype=jnp.float32)
    # conv1: Conv1d(in_channels=num_nodes=10000, out_channels=2*hidden=2, kernel=3)
    conv1_w = jax.random.normal(ks[3], (2, 10000, 3), dtype=jnp.float32) * 0.01
    conv1_b = jnp.zeros((2,), dtype=jnp.float32)
    # GCNConv(in_channels=1, out_channels=hidden=1): lin (no bias) + bias
    gcn_w = jax.random.normal(ks[4], (1, 1), dtype=jnp.float32) * 0.5
    gcn_b = jnp.zeros((1,), dtype=jnp.float32)
    return {"x": x, "edge_index": edge_index, "hot_vector": hot_vector,
            "conv1_w": conv1_w, "conv1_b": conv1_b, "gcn_w": gcn_w, "gcn_b": gcn_b}


def reference(x, edge_index, hot_vector, conv1_w, conv1_b, gcn_w, gcn_b):
    B, N, Fdim, T = x.shape
    H = conv1_w.shape[0] // 2
    # permute(0,1,3,2).reshape(B*F, N, T)
    xr = jnp.transpose(x, (0, 1, 3, 2)).reshape(B * Fdim, N, T)
    # Conv1d, kernel 3, valid padding
    y = jax.lax.conv_general_dilated(xr, conv1_w, window_strides=(1,), padding='VALID',
                                     dimension_numbers=('NCH', 'OIH', 'NCH'))
    y = y + conv1_b[None, :, None]
    # GLU gating
    P = y[:, :y.shape[1] // 2, :]
    Q = y[:, y.shape[1] // 2:, :]
    y = P * jax.nn.sigmoid(Q)
    Tn = T - 2
    y = jnp.transpose(y.reshape(B, Fdim, H, Tn), (0, 1, 3, 2))  # (B, F, Tn, H)
    # permute(0,3,2,1).reshape(B*H, Tn, F)
    y = jnp.transpose(y, (0, 3, 2, 1)).reshape(B * H, Tn, Fdim)
    # GCNConv over node dim of size Tn (PyG node_dim=-2), graph given by edge_index[0]
    ei = edge_index[0]
    n = Tn
    loop = jnp.arange(n, dtype=ei.dtype)
    row = jnp.concatenate([ei[0], loop])
    col = jnp.concatenate([ei[1], loop])
    ew = jnp.ones(row.shape[0], dtype=jnp.float32)
    deg = jax.ops.segment_sum(ew, col, num_segments=n)
    dinv = jnp.where(deg > 0, deg ** -0.5, 0.0)
    norm = dinv[row] * ew * dinv[col]
    xw = y @ gcn_w.T  # (B*H, Tn, out)
    msg = xw[:, row, :] * norm[None, :, None]
    out = jnp.zeros((B * H, n, gcn_w.shape[0]), dtype=jnp.float32).at[:, col, :].add(msg)
    out = out + gcn_b
    out = out.reshape(B, H, Tn, Fdim)
    return jnp.transpose(out, (0, 3, 2, 1))

if __name__ == "__main__":
    import jax
    _d = setup_inputs()
    print(jax.jit(kernel)(*tuple(_d.values())))

</pallas_src>

<mosaic_0001>
#map = affine_map<(d0, d1) -> (0)>
#map1 = affine_map<(d0, d1) -> (0, 0)>
module attributes {stable_mosaic.version = 14 : i64} {
  func.func @_gcn_sc_body(%arg0: i32, %arg1: i32, %arg2: memref<65536xi32, #tpu.memory_space<hbm>>, %arg3: memref<512x128xi32, #tpu.memory_space<hbm>>, %arg4: memref<4096xf32, #tpu.memory_space<hbm>>, %arg5: memref<1024xf32, #tpu.memory_space<hbm>>, %arg6: memref<1024x16xf32, #tpu.memory_space<hbm>>, %arg7: memref<16xf32, #tpu.memory_space<hbm>>, %arg8: memref<4096xf32, #tpu.memory_space<hbm>>, %arg9: memref<4096xi32, #tpu.memory_space<vmem>>, %arg10: memref<32x128xi32, #tpu.memory_space<vmem>>, %arg11: memref<32x128x16xf32, #tpu.memory_space<vmem>>, %arg12: memref<4096xf32, #tpu.memory_space<vmem>>, %arg13: memref<2048xf32, #tpu.memory_space<vmem>>, %arg14: memref<1024xf32, #tpu.memory_space<vmem>>, %arg15: memref<128x16xf32, #tpu.memory_space<vmem>>, %arg16: memref<128xf32, #tpu.memory_space<vmem>>, %arg17: memref<16xf32, #tpu.memory_space<vmem>>, %arg18: memref<1024x16xf32, #tpu.memory_space<vmem_shared>>) attributes {dimension_semantics = [#tpu.dimension_semantics<core_parallel>, #tpu.dimension_semantics<subcore_parallel>], iteration_bounds = array<i64: 2, 16>, scalar_prefetch = 0 : i64, scratch_operands = 10 : i64, tpu.core_type = #tpu.core_type<sc_vector_subcore>, window_params = [{transform_indices = #map}, {transform_indices = #map1}, {transform_indices = #map}, {transform_indices = #map}, {transform_indices = #map1}, {transform_indices = #map}, {transform_indices = #map}]} {
    %mul3A = arith.constant 4096 : i32
    %mul3A_0 = arith.muli %arg1, %mul3A : i32
    %iota3A = tpu.iota {dimensions = array<i32: 0>} : vector<16xi32>
    %shift_right_logical3A = arith.constant 1 : i32
    %shift_right_logical3A_1 = vector.broadcast %shift_right_logical3A : i32 to vector<16xi32>
    %shift_right_logical3A_2 = arith.shrui %iota3A, %shift_right_logical3A_1 : vector<16xi32>
    %and3A = arith.constant 1 : i32
    %and3A_3 = vector.broadcast %and3A : i32 to vector<16xi32>
    %and3A_4 = arith.andi %iota3A, %and3A_3 : vector<16xi32>
    "tpu.region"() ({
      %run_scoped3A = tpu.sem_alloc : memref<!tpu.dma_semaphore, #tpu.memory_space<semaphore_mem>>
      %dma_start3A = tpu.memref_slice %arg2[%mul3A_0] : memref<65536xi32, #tpu.memory_space<hbm>> -> memref<4096xi32, #tpu.memory_space<hbm>>
      %dma_start3A_55 = tpu.memref_slice %arg2[%mul3A_0] : memref<65536xi32, #tpu.memory_space<hbm>> -> memref<4096xi32, #tpu.memory_space<hbm>>
      tpu.enqueue_dma source(%dma_start3A_55 : memref<4096xi32, #tpu.memory_space<hbm>>) target(%arg9 : memref<4096xi32, #tpu.memory_space<vmem>>) target_semaphore(%run_scoped3A : memref<!tpu.dma_semaphore, #tpu.memory_space<semaphore_mem>>)
      %dma_wait3A = tpu.memref_slice %arg2[%mul3A_0] : memref<65536xi32, #tpu.memory_space<hbm>> -> memref<4096xi32, #tpu.memory_space<hbm>>
      %dma_wait3A_56 = tpu.memref_slice %arg2[%mul3A_0] : memref<65536xi32, #tpu.memory_space<hbm>> -> memref<4096xi32, #tpu.memory_space<hbm>>
      tpu.wait_dma2 semaphore(%run_scoped3A : memref<!tpu.dma_semaphore, #tpu.memory_space<semaphore_mem>>) src(%dma_wait3A_56 : memref<4096xi32, #tpu.memory_space<hbm>>) dst(%arg9 : memref<4096xi32, #tpu.memory_space<vmem>>)
      tpu.yield
    }) : () -> ()
    %mul3A_5 = arith.constant 32 : i32
    %mul3A_6 = arith.muli %arg1, %mul3A_5 : i32
    "tpu.region"() ({
      %run_scoped3A = tpu.sem_alloc : memref<!tpu.dma_semaphore, #tpu.memory_space<semaphore_mem>>
      %dma_start3A = arith.constant 0 : i32
      %dma_start3A_55 = tpu.memref_slice %arg3[%mul3A_6, %dma_start3A] : memref<512x128xi32, #tpu.memory_space<hbm>> -> memref<32x128xi32, #tpu.memory_space<hbm>>
      %dma_start3A_56 = arith.constant 0 : i32
      %dma_start3A_57 = tpu.memref_slice %arg3[%mul3A_6, %dma_start3A_56] : memref<512x128xi32, #tpu.memory_space<hbm>> -> memref<32x128xi32, #tpu.memory_space<hbm>>
      tpu.enqueue_dma source(%dma_start3A_57 : memref<32x128xi32, #tpu.memory_space<hbm>>) target(%arg10 : memref<32x128xi32, #tpu.memory_space<vmem>>) target_semaphore(%run_scoped3A : memref<!tpu.dma_semaphore, #tpu.memory_space<semaphore_mem>>)
      %dma_wait3A = arith.constant 0 : i32
      %dma_wait3A_58 = tpu.memref_slice %arg3[%mul3A_6, %dma_wait3A] : memref<512x128xi32, #tpu.memory_space<hbm>> -> memref<32x128xi32, #tpu.memory_space<hbm>>
      %dma_wait3A_59 = arith.constant 0 : i32
      %dma_wait3A_60 = tpu.memref_slice %arg3[%mul3A_6, %dma_wait3A_59] : memref<512x128xi32, #tpu.memory_space<hbm>> -> memref<32x128xi32, #tpu.memory_space<hbm>>
      tpu.wait_dma2 semaphore(%run_scoped3A : memref<!tpu.dma_semaphore, #tpu.memory_space<semaphore_mem>>) src(%dma_wait3A_60 : memref<32x128xi32, #tpu.memory_space<hbm>>) dst(%arg10 : memref<32x128xi32, #tpu.memory_space<vmem>>)
      tpu.yield
    }) : () -> ()
    "tpu.region"() ({
      %run_scoped3A = tpu.sem_alloc : memref<!tpu.dma_semaphore, #tpu.memory_space<semaphore_mem>>
      tpu.enqueue_dma source(%arg4 : memref<4096xf32, #tpu.memory_space<hbm>>) target(%arg12 : memref<4096xf32, #tpu.memory_space<vmem>>) target_semaphore(%run_scoped3A : memref<!tpu.dma_semaphore, #tpu.memory_space<semaphore_mem>>)
      tpu.wait_dma2 semaphore(%run_scoped3A : memref<!tpu.dma_semaphore, #tpu.memory_space<semaphore_mem>>) src(%arg4 : memref<4096xf32, #tpu.memory_space<hbm>>) dst(%arg12 : memref<4096xf32, #tpu.memory_space<vmem>>)
      tpu.yield
    }) : () -> ()
    "tpu.region"() ({
      %run_scoped3A = tpu.sem_alloc : memref<!tpu.dma_semaphore, #tpu.memory_space<semaphore_mem>>
      tpu.enqueue_dma source(%arg5 : memref<1024xf32, #tpu.memory_space<hbm>>) target(%arg14 : memref<1024xf32, #tpu.memory_space<vmem>>) target_semaphore(%run_scoped3A : memref<!tpu.dma_semaphore, #tpu.memory_space<semaphore_mem>>)
      tpu.wait_dma2 semaphore(%run_scoped3A : memref<!tpu.dma_semaphore, #tpu.memory_space<semaphore_mem>>) src(%arg5 : memref<1024xf32, #tpu.memory_space<hbm>>) dst(%arg14 : memref<1024xf32, #tpu.memory_space<vmem>>)
      tpu.yield
    }) : () -> ()
    "tpu.region"() ({
      %run_scoped3A = tpu.sem_alloc : memref<!tpu.dma_semaphore, #tpu.memory_space<semaphore_mem>>
      tpu.enqueue_dma source(%arg7 : memref<16xf32, #tpu.memory_space<hbm>>) target(%arg17 : memref<16xf32, #tpu.memory_space<vmem>>) target_semaphore(%run_scoped3A : memref<!tpu.dma_semaphore, #tpu.memory_space<semaphore_mem>>)
      tpu.wait_dma2 semaphore(%run_scoped3A : memref<!tpu.dma_semaphore, #tpu.memory_space<semaphore_mem>>) src(%arg7 : memref<16xf32, #tpu.memory_space<hbm>>) dst(%arg17 : memref<16xf32, #tpu.memory_space<vmem>>)
      tpu.yield
    }) : () -> ()
    %eq3A = arith.constant 0 : i32
    %eq3A_7 = arith.cmpi eq, %arg1, %eq3A : i32
    %convert_element_type3A = arith.extui %eq3A_7 : i1 to i32
    %cond3A = arith.constant 0 : i32
    %cond3A_8 = arith.cmpi ne, %convert_element_type3A, %cond3A : i32
    scf.if %cond3A_8 {
      "tpu.region"() ({
        %run_scoped3A = tpu.sem_alloc : memref<!tpu.dma_semaphore, #tpu.memory_space<semaphore_mem>>
        tpu.enqueue_dma source(%arg6 : memref<1024x16xf32, #tpu.memory_space<hbm>>) target(%arg18 : memref<1024x16xf32, #tpu.memory_space<vmem_shared>>) target_semaphore(%run_scoped3A : memref<!tpu.dma_semaphore, #tpu.memory_space<semaphore_mem>>)
        tpu.wait_dma2 semaphore(%run_scoped3A : memref<!tpu.dma_semaphore, #tpu.memory_space<semaphore_mem>>) src(%arg6 : memref<1024x16xf32, #tpu.memory_space<hbm>>) dst(%arg18 : memref<1024x16xf32, #tpu.memory_space<vmem_shared>>)
        tpu.yield
      }) : () -> ()
    } else {
    }
    %barrier3A = arith.constant 0 : index
    tpu.barrier barrier_id(%barrier3A)
    %mul3A_9 = arith.constant 1024 : i32
    %mul3A_10 = vector.broadcast %mul3A_9 : i32 to vector<16xi32>
    %mul3A_11 = arith.muli %and3A_4, %mul3A_10 : vector<16xi32>
    %mul3A_12 = arith.constant 2048 : i32
    %mul3A_13 = arith.muli %arg0, %mul3A_12 : i32
    %add3A = vector.broadcast %mul3A_13 : i32 to vector<16xi32>
    %add3A_14 = arith.addi %mul3A_11, %add3A : vector<16xi32>
    %scan3A = arith.constant 0 : i32
    %scan3A_15 = arith.constant 0 : i32
    %scan3A_16 = arith.constant 128 : i32
    %scan3A_17 = arith.addi %scan3A_15, %scan3A_16 : i32
    %scan3A_18 = arith.constant 1 : i32
    scf.for %scan3A_55 = %scan3A_15 to %scan3A_17 step %scan3A_18  : i32 {
      %mul3A_56 = arith.constant 8 : i32
      %mul3A_57 = arith.muli %scan3A_55, %mul3A_56 : i32
      %add3A_58 = vector.broadcast %mul3A_57 : i32 to vector<16xi32>
      %add3A_59 = arith.addi %shift_right_logical3A_2, %add3A_58 : vector<16xi32>
      %add3A_60 = arith.addi %add3A_14, %add3A_59 : vector<16xi32>
      %gather3A = tpu.vector_load_idx %arg12[%add3A_60] : memref<4096xf32, #tpu.memory_space<vmem>>[vector<16xi32>], vector<16xf32>,
      %gather3A_61 = tpu.vector_load_idx %arg14[%add3A_59] : memref<1024xf32, #tpu.memory_space<vmem>>[vector<16xi32>], vector<16xf32>,
      %mul3A_62 = arith.mulf %gather3A, %gather3A_61 : vector<16xf32>
      %mul3A_63 = arith.constant 16 : i32
      %mul3A_64 = arith.muli %scan3A_55, %mul3A_63 : i32
      %swap3A = arith.index_cast %mul3A_64 : i32 to index
      %swap3A_65 = tpu.vector_load %arg13[%swap3A] {strides = array<i32>} : memref<2048xf32, #tpu.memory_space<vmem>>, vector<16xf32>,
      tpu.vector_store %arg13[%swap3A], %mul3A_62 {strides = array<i32>} : memref<2048xf32, #tpu.memory_space<vmem>>, vector<16xf32>,
    }
    %scan3A_19 = arith.constant 128 : i32
    %scan3A_20 = arith.constant 0 : i32
    %scan3A_21 = arith.constant 0 : i32
    %scan3A_22 = arith.constant 512 : i32
    %scan3A_23 = arith.addi %scan3A_21, %scan3A_22 : i32
    %scan3A_24 = arith.constant 1 : i32
    scf.for %scan3A_55 = %scan3A_21 to %scan3A_23 step %scan3A_24  : i32 {
      %mul3A_56 = arith.constant 8 : i32
      %mul3A_57 = arith.muli %scan3A_55, %mul3A_56 : i32
      %add3A_58 = vector.broadcast %mul3A_57 : i32 to vector<16xi32>
      %add3A_59 = arith.addi %shift_right_logical3A_2, %add3A_58 : vector<16xi32>
      %gather3A = tpu.vector_load_idx %arg9[%add3A_59] : memref<4096xi32, #tpu.memory_space<vmem>>[vector<16xi32>], vector<16xi32>,
      %mul3A_60 = arith.constant 2 : i32
      %mul3A_61 = vector.broadcast %mul3A_60 : i32 to vector<16xi32>
      %mul3A_62 = arith.muli %gather3A, %mul3A_61 : vector<16xi32>
      %add3A_63 = arith.addi %mul3A_62, %and3A_4 : vector<16xi32>
      %gather3A_64 = tpu.vector_load_idx %arg13[%add3A_63] : memref<2048xf32, #tpu.memory_space<vmem>>[vector<16xi32>], vector<16xf32>,
      %shift_right_logical3A_65 = arith.constant 7 : i32
      %shift_right_logical3A_66 = vector.broadcast %shift_right_logical3A_65 : i32 to vector<16xi32>
      %shift_right_logical3A_67 = arith.shrui %add3A_59, %shift_right_logical3A_66 : vector<16xi32>
      %and3A_68 = arith.constant 127 : i32
      %and3A_69 = vector.broadcast %and3A_68 : i32 to vector<16xi32>
      %and3A_70 = arith.andi %add3A_59, %and3A_69 : vector<16xi32>
      tpu.vector_store_idx %arg11[%shift_right_logical3A_67, %and3A_70, %and3A_4], %gather3A_64 : memref<32x128x16xf32, #tpu.memory_space<vmem>>[vector<16xi32>, vector<16xi32>, vector<16xi32>], vector<16xf32>,
    }
    %scan3A_25 = arith.constant 512 : i32
    %scan3A_26 = arith.constant 0 : i32
    %scan3A_27 = arith.constant 0 : i32
    %scan3A_28 = arith.constant 32 : i32
    %scan3A_29 = arith.addi %scan3A_27, %scan3A_28 : i32
    %scan3A_30 = arith.constant 1 : i32
    scf.for %scan3A_55 = %scan3A_27 to %scan3A_29 step %scan3A_30  : i32 {
      "tpu.region"() ({
        %run_scoped3A = tpu.sem_alloc : memref<!tpu.dma_semaphore, #tpu.memory_space<semaphore_mem>>
        %dma_start3A = arith.constant 0 : i32
        %dma_start3A_56 = arith.constant 0 : i32
        %dma_start3A_57 = tpu.memref_slice %arg11[%scan3A_55, %dma_start3A, %dma_start3A_56] : memref<32x128x16xf32, #tpu.memory_space<vmem>> -> memref<1x128x16xf32, #tpu.memory_space<vmem>>
        %dma_start3A_58 = tpu.memref_squeeze %dma_start3A_57 : memref<1x128x16xf32, #tpu.memory_space<vmem>> -> memref<128x16xf32, #tpu.memory_space<vmem>>
        %dma_start3A_59 = arith.constant 0 : i32
        %dma_start3A_60 = tpu.memref_slice %arg10[%scan3A_55, %dma_start3A_59] : memref<32x128xi32, #tpu.memory_space<vmem>> -> memref<1x128xi32, #tpu.memory_space<vmem>>
        %dma_start3A_61 = tpu.memref_squeeze %dma_start3A_60 : memref<1x128xi32, #tpu.memory_space<vmem>> -> memref<128xi32, #tpu.memory_space<vmem>>
        %dma_start3A_62 = arith.constant 0 : i32
        %dma_start3A_63 = arith.constant 0 : i32
        %dma_start3A_64 = tpu.memref_slice %arg18[%dma_start3A_62, %dma_start3A_63] : memref<1024x16xf32, #tpu.memory_space<vmem_shared>> -> memref<1024x16xf32, #tpu.memory_space<vmem_shared>>
        tpu.enqueue_indirect_dma source(%dma_start3A_58 : memref<128x16xf32, #tpu.memory_space<vmem>>) target(%dma_start3A_64 : memref<1024x16xf32, #tpu.memory_space<vmem_shared>>) offsets(%dma_start3A_61 : memref<128xi32, #tpu.memory_space<vmem>>) semaphore(%run_scoped3A : memref<!tpu.dma_semaphore, #tpu.memory_space<semaphore_mem>>) {add = true}
        %dma_wait3A = arith.constant 0 : i32
        %dma_wait3A_65 = arith.constant 0 : i32
        %dma_wait3A_66 = tpu.memref_slice %arg11[%scan3A_55, %dma_wait3A, %dma_wait3A_65] : memref<32x128x16xf32, #tpu.memory_space<vmem>> -> memref<1x128x16xf32, #tpu.memory_space<vmem>>
        %dma_wait3A_67 = tpu.memref_squeeze %dma_wait3A_66 : memref<1x128x16xf32, #tpu.memory_space<vmem>> -> memref<128x16xf32, #tpu.memory_space<vmem>>
        %dma_wait3A_68 = arith.constant 0 : i32
        %dma_wait3A_69 = tpu.memref_slice %arg10[%scan3A_55, %dma_wait3A_68] : memref<32x128xi32, #tpu.memory_space<vmem>> -> memref<1x128xi32, #tpu.memory_space<vmem>>
        %dma_wait3A_70 = tpu.memref_squeeze %dma_wait3A_69 : memref<1x128xi32, #tpu.memory_space<vmem>> -> memref<128xi32, #tpu.memory_space<vmem>>
        %dma_wait3A_71 = arith.constant 0 : i32
        %dma_wait3A_72 = arith.constant 0 : i32
        %dma_wait3A_73 = tpu.memref_slice %arg18[%dma_wait3A_71, %dma_wait3A_72] : memref<1024x16xf32, #tpu.memory_space<vmem_shared>> -> memref<1024x16xf32, #tpu.memory_space<vmem_shared>>
        tpu.wait_indirect_dma semaphore(%run_scoped3A : memref<!tpu.dma_semaphore, #tpu.memory_space<semaphore_mem>>) src(%dma_wait3A_67 : memref<128x16xf32, #tpu.memory_space<vmem>>) dst(%dma_wait3A_73 : memref<1024x16xf32, #tpu.memory_space<vmem_shared>>)
        tpu.yield
      }) : () -> ()
    }
    %scan3A_31 = arith.constant 32 : i32
    %barrier3A_32 = arith.constant 0 : index
    tpu.barrier barrier_id(%barrier3A_32)
    %shift_right_logical3A_33 = arith.constant 3 : i32
    %shift_right_logical3A_34 = arith.shrui %arg1, %shift_right_logical3A_33 : i32
    %and3A_35 = arith.constant 7 : i32
    %and3A_36 = arith.andi %arg1, %and3A_35 : i32
    %mul3A_37 = arith.constant 128 : i32
    %mul3A_38 = arith.muli %and3A_36, %mul3A_37 : i32
    "tpu.region"() ({
      %run_scoped3A = tpu.sem_alloc : memref<!tpu.dma_semaphore, #tpu.memory_space<semaphore_mem>>
      %dma_start3A = arith.constant 0 : i32
      %dma_start3A_55 = tpu.memref_slice %arg18[%mul3A_38, %dma_start3A] : memref<1024x16xf32, #tpu.memory_space<vmem_shared>> -> memref<128x16xf32, #tpu.memory_space<vmem_shared>>
      %dma_start3A_56 = arith.constant 0 : i32
      %dma_start3A_57 = tpu.memref_slice %arg18[%mul3A_38, %dma_start3A_56] : memref<1024x16xf32, #tpu.memory_space<vmem_shared>> -> memref<128x16xf32, #tpu.memory_space<vmem_shared>>
      tpu.enqueue_dma source(%dma_start3A_57 : memref<128x16xf32, #tpu.memory_space<vmem_shared>>) target(%arg15 : memref<128x16xf32, #tpu.memory_space<vmem>>) target_semaphore(%run_scoped3A : memref<!tpu.dma_semaphore, #tpu.memory_space<semaphore_mem>>)
      %dma_wait3A = arith.constant 0 : i32
      %dma_wait3A_58 = tpu.memref_slice %arg18[%mul3A_38, %dma_wait3A] : memref<1024x16xf32, #tpu.memory_space<vmem_shared>> -> memref<128x16xf32, #tpu.memory_space<vmem_shared>>
      %dma_wait3A_59 = arith.constant 0 : i32
      %dma_wait3A_60 = tpu.memref_slice %arg18[%mul3A_38, %dma_wait3A_59] : memref<1024x16xf32, #tpu.memory_space<vmem_shared>> -> memref<128x16xf32, #tpu.memory_space<vmem_shared>>
      tpu.wait_dma2 semaphore(%run_scoped3A : memref<!tpu.dma_semaphore, #tpu.memory_space<semaphore_mem>>) src(%dma_wait3A_60 : memref<128x16xf32, #tpu.memory_space<vmem_shared>>) dst(%arg15 : memref<128x16xf32, #tpu.memory_space<vmem>>)
      tpu.yield
    }) : () -> ()
    %get3A = arith.constant 0 : index
    %get3A_39 = tpu.vector_load %arg17[%get3A] {strides = array<i32>} : memref<16xf32, #tpu.memory_space<vmem>>, vector<16xf32>,
    %broadcast_in_dim3A = arith.constant 0 : i32
    %broadcast_in_dim3A_40 = vector.broadcast %broadcast_in_dim3A : i32 to vector<16xi32>
    %add3A_41 = vector.broadcast %shift_right_logical3A_34 : i32 to vector<16xi32>
    %add3A_42 = arith.addi %broadcast_in_dim3A_40, %add3A_41 : vector<16xi32>
    %scan3A_43 = arith.constant 0 : i32
    %scan3A_44 = arith.constant 0 : i32
    %scan3A_45 = arith.constant 8 : i32
    %scan3A_46 = arith.addi %scan3A_44, %scan3A_45 : i32
    %scan3A_47 = arith.constant 1 : i32
    scf.for %scan3A_55 = %scan3A_44 to %scan3A_46 step %scan3A_47  : i32 {
      %mul3A_56 = arith.constant 16 : i32
      %mul3A_57 = arith.muli %scan3A_55, %mul3A_56 : i32
      %add3A_58 = vector.broadcast %mul3A_57 : i32 to vector<16xi32>
      %add3A_59 = arith.addi %add3A_58, %iota3A : vector<16xi32>
      %gather3A = tpu.vector_load_idx %arg15[%add3A_59, %add3A_42] : memref<128x16xf32, #tpu.memory_space<vmem>>[vector<16xi32>, vector<16xi32>], vector<16xf32>,
      %add3A_60 = vector.broadcast %mul3A_38 : i32 to vector<16xi32>
      %add3A_61 = arith.addi %add3A_60, %add3A_59 : vector<16xi32>
      %mul3A_62 = arith.constant 2 : i32
      %mul3A_63 = vector.broadcast %mul3A_62 : i32 to vector<16xi32>
      %mul3A_64 = arith.muli %add3A_61, %mul3A_63 : vector<16xi32>
      %add3A_65 = vector.broadcast %shift_right_logical3A_34 : i32 to vector<16xi32>
      %add3A_66 = arith.addi %mul3A_64, %add3A_65 : vector<16xi32>
      %gather3A_67 = tpu.vector_load_idx %arg13[%add3A_66] : memref<2048xf32, #tpu.memory_space<vmem>>[vector<16xi32>], vector<16xf32>,
      %mul3A_68 = arith.constant 16 : i32
      %mul3A_69 = arith.muli %scan3A_55, %mul3A_68 : i32
      %add3A_70 = arith.addi %mul3A_38, %mul3A_69 : i32
      %get3A_71 = arith.index_cast %add3A_70 : i32 to index
      %get3A_72 = tpu.vector_load %arg14[%get3A_71] {strides = array<i32>} : memref<1024xf32, #tpu.memory_space<vmem>>, vector<16xf32>,
      %add3A_73 = arith.addf %gather3A, %gather3A_67 : vector<16xf32>
      %mul3A_74 = arith.mulf %get3A_72, %add3A_73 : vector<16xf32>
      %add3A_75 = arith.addf %mul3A_74, %get3A_39 : vector<16xf32>
      %mul3A_76 = arith.constant 16 : i32
      %mul3A_77 = arith.muli %scan3A_55, %mul3A_76 : i32
      %swap3A = arith.index_cast %mul3A_77 : i32 to index
      %swap3A_78 = tpu.vector_load %arg16[%swap3A] {strides = array<i32>} : memref<128xf32, #tpu.memory_space<vmem>>, vector<16xf32>,
      tpu.vector_store %arg16[%swap3A], %add3A_75 {strides = array<i32>} : memref<128xf32, #tpu.memory_space<vmem>>, vector<16xf32>,
    }
    %scan3A_48 = arith.constant 8 : i32
    %mul3A_49 = arith.constant 2 : i32
    %mul3A_50 = arith.muli %arg0, %mul3A_49 : i32
    %add3A_51 = arith.addi %mul3A_50, %shift_right_logical3A_34 : i32
    %mul3A_52 = arith.constant 1024 : i32
    %mul3A_53 = arith.muli %add3A_51, %mul3A_52 : i32
    %add3A_54 = arith.addi %mul3A_53, %mul3A_38 : i32
    "tpu.region"() ({
      %run_scoped3A = tpu.sem_alloc : memref<!tpu.dma_semaphore, #tpu.memory_space<semaphore_mem>>
      %dma_start3A = tpu.memref_slice %arg8[%add3A_54] : memref<4096xf32, #tpu.memory_space<hbm>> -> memref<128xf32, #tpu.memory_space<hbm>>
      %dma_start3A_55 = tpu.memref_slice %arg8[%add3A_54] : memref<4096xf32, #tpu.memory_space<hbm>> -> memref<128xf32, #tpu.memory_space<hbm>>
      tpu.enqueue_dma source(%arg16 : memref<128xf32, #tpu.memory_space<vmem>>) target(%dma_start3A_55 : memref<128xf32, #tpu.memory_space<hbm>>) target_semaphore(%run_scoped3A : memref<!tpu.dma_semaphore, #tpu.memory_space<semaphore_mem>>)
      %dma_wait3A = tpu.memref_slice %arg8[%add3A_54] : memref<4096xf32, #tpu.memory_space<hbm>> -> memref<128xf32, #tpu.memory_space<hbm>>
      %dma_wait3A_56 = tpu.memref_slice %arg8[%add3A_54] : memref<4096xf32, #tpu.memory_space<hbm>> -> memref<128xf32, #tpu.memory_space<hbm>>
      tpu.wait_dma2 semaphore(%run_scoped3A : memref<!tpu.dma_semaphore, #tpu.memory_space<semaphore_mem>>) src(%arg16 : memref<128xf32, #tpu.memory_space<vmem>>) dst(%dma_wait3A_56 : memref<128xf32, #tpu.memory_space<hbm>>)
      tpu.yield
    }) : () -> ()
    return
  }
}

#map = affine_map<(d0, d1) -> (0, 0)>
#map1 = affine_map<(d0, d1) -> (0)>
module attributes {stable_mosaic.version = 14 : i64} {
  func.func @_deg_sc_body(%arg0: i32, %arg1: i32, %arg2: memref<512x128xi32, #tpu.memory_space<hbm>>, %arg3: memref<1024xf32, #tpu.memory_space<hbm>>, %arg4: memref<32x128xi32, #tpu.memory_space<vmem>>, %arg5: memref<128xf32, #tpu.memory_space<vmem>>, %arg6: memref<1024xf32, #tpu.memory_space<vmem>>, %arg7: memref<64xf32, #tpu.memory_space<vmem>>, %arg8: memref<64xf32, #tpu.memory_space<vmem>>, %arg9: memref<1024xf32, #tpu.memory_space<vmem_shared>>) attributes {dimension_semantics = [#tpu.dimension_semantics<core_parallel>, #tpu.dimension_semantics<subcore_parallel>], iteration_bounds = array<i64: 2, 16>, scalar_prefetch = 0 : i64, scratch_operands = 6 : i64, tpu.core_type = #tpu.core_type<sc_vector_subcore>, window_params = [{transform_indices = #map}, {transform_indices = #map1}]} {
    %eq3A = arith.constant 0 : i32
    %eq3A_0 = arith.cmpi eq, %arg0, %eq3A : i32
    %convert_element_type3A = arith.extui %eq3A_0 : i1 to i32
    %cond3A = arith.constant 0 : i32
    %cond3A_1 = arith.cmpi ne, %convert_element_type3A, %cond3A : i32
    scf.if %cond3A_1 {
      %mul3A = arith.constant 32 : i32
      %mul3A_2 = arith.muli %arg1, %mul3A : i32
      "tpu.region"() ({
        %run_scoped3A = tpu.sem_alloc : memref<!tpu.dma_semaphore, #tpu.memory_space<semaphore_mem>>
        %dma_start3A = arith.constant 0 : i32
        %dma_start3A_39 = tpu.memref_slice %arg2[%mul3A_2, %dma_start3A] : memref<512x128xi32, #tpu.memory_space<hbm>> -> memref<32x128xi32, #tpu.memory_space<hbm>>
        %dma_start3A_40 = arith.constant 0 : i32
        %dma_start3A_41 = tpu.memref_slice %arg2[%mul3A_2, %dma_start3A_40] : memref<512x128xi32, #tpu.memory_space<hbm>> -> memref<32x128xi32, #tpu.memory_space<hbm>>
        tpu.enqueue_dma source(%dma_start3A_41 : memref<32x128xi32, #tpu.memory_space<hbm>>) target(%arg4 : memref<32x128xi32, #tpu.memory_space<vmem>>) target_semaphore(%run_scoped3A : memref<!tpu.dma_semaphore, #tpu.memory_space<semaphore_mem>>)
        %dma_wait3A = arith.constant 0 : i32
        %dma_wait3A_42 = tpu.memref_slice %arg2[%mul3A_2, %dma_wait3A] : memref<512x128xi32, #tpu.memory_space<hbm>> -> memref<32x128xi32, #tpu.memory_space<hbm>>
        %dma_wait3A_43 = arith.constant 0 : i32
        %dma_wait3A_44 = tpu.memref_slice %arg2[%mul3A_2, %dma_wait3A_43] : memref<512x128xi32, #tpu.memory_space<hbm>> -> memref<32x128xi32, #tpu.memory_space<hbm>>
        tpu.wait_dma2 semaphore(%run_scoped3A : memref<!tpu.dma_semaphore, #tpu.memory_space<semaphore_mem>>) src(%dma_wait3A_44 : memref<32x128xi32, #tpu.memory_space<hbm>>) dst(%arg4 : memref<32x128xi32, #tpu.memory_space<vmem>>)
        tpu.yield
      }) : () -> ()
      %broadcast_in_dim3A = arith.constant 1.000000e+00 : f32
      %broadcast_in_dim3A_3 = vector.broadcast %broadcast_in_dim3A : f32 to vector<16xf32>
      %broadcast_in_dim3A_4 = arith.constant 0.000000e+00 : f32
      %broadcast_in_dim3A_5 = vector.broadcast %broadcast_in_dim3A_4 : f32 to vector<16xf32>
      %scan3A = arith.constant 0 : i32
      %scan3A_6 = arith.constant 0 : i32
      %scan3A_7 = arith.constant 8 : i32
      %scan3A_8 = arith.addi %scan3A_6, %scan3A_7 : i32
      %scan3A_9 = arith.constant 1 : i32
      scf.for %scan3A_39 = %scan3A_6 to %scan3A_8 step %scan3A_9  : i32 {
        %mul3A_40 = arith.constant 16 : i32
        %mul3A_41 = arith.muli %scan3A_39, %mul3A_40 : i32
        %swap3A = arith.index_cast %mul3A_41 : i32 to index
        %swap3A_42 = tpu.vector_load %arg5[%swap3A] {strides = array<i32>} : memref<128xf32, #tpu.memory_space<vmem>>, vector<16xf32>,
        tpu.vector_store %arg5[%swap3A], %broadcast_in_dim3A_3 {strides = array<i32>} : memref<128xf32, #tpu.memory_space<vmem>>, vector<16xf32>,
      }
      %scan3A_10 = arith.constant 8 : i32
      %scan3A_11 = arith.constant 0 : i32
      %scan3A_12 = arith.constant 0 : i32
      %scan3A_13 = arith.constant 64 : i32
      %scan3A_14 = arith.addi %scan3A_12, %scan3A_13 : i32
      %scan3A_15 = arith.constant 1 : i32
      scf.for %scan3A_39 = %scan3A_12 to %scan3A_14 step %scan3A_15  : i32 {
        %mul3A_40 = arith.constant 16 : i32
        %mul3A_41 = arith.muli %scan3A_39, %mul3A_40 : i32
        %swap3A = arith.index_cast %mul3A_41 : i32 to index
        %swap3A_42 = tpu.vector_load %arg6[%swap3A] {strides = array<i32>} : memref<1024xf32, #tpu.memory_space<vmem>>, vector<16xf32>,
        tpu.vector_store %arg6[%swap3A], %broadcast_in_dim3A_5 {strides = array<i32>} : memref<1024xf32, #tpu.memory_space<vmem>>, vector<16xf32>,
      }
      %scan3A_16 = arith.constant 64 : i32
      %eq3A_17 = arith.constant 0 : i32
      %eq3A_18 = arith.cmpi eq, %arg1, %eq3A_17 : i32
      %convert_element_type3A_19 = arith.extui %eq3A_18 : i1 to i32
      %cond3A_20 = arith.constant 0 : i32
      %cond3A_21 = arith.cmpi ne, %convert_element_type3A_19, %cond3A_20 : i32
      scf.if %cond3A_21 {
        "tpu.region"() ({
          %run_scoped3A = tpu.sem_alloc : memref<!tpu.dma_semaphore, #tpu.memory_space<semaphore_mem>>
          tpu.enqueue_dma source(%arg6 : memref<1024xf32, #tpu.memory_space<vmem>>) target(%arg9 : memref<1024xf32, #tpu.memory_space<vmem_shared>>) target_semaphore(%run_scoped3A : memref<!tpu.dma_semaphore, #tpu.memory_space<semaphore_mem>>)
          tpu.wait_dma2 semaphore(%run_scoped3A : memref<!tpu.dma_semaphore, #tpu.memory_space<semaphore_mem>>) src(%arg6 : memref<1024xf32, #tpu.memory_space<vmem>>) dst(%arg9 : memref<1024xf32, #tpu.memory_space<vmem_shared>>)
          tpu.yield
        }) : () -> ()
      } else {
      }
      %barrier3A = arith.constant 0 : index
      tpu.barrier barrier_id(%barrier3A)
      %scan3A_22 = arith.constant 0 : i32
      %scan3A_23 = arith.constant 0 : i32
      %scan3A_24 = arith.constant 32 : i32
      %scan3A_25 = arith.addi %scan3A_23, %scan3A_24 : i32
      %scan3A_26 = arith.constant 1 : i32
      scf.for %scan3A_39 = %scan3A_23 to %scan3A_25 step %scan3A_26  : i32 {
        "tpu.region"() ({
          %run_scoped3A = tpu.sem_alloc : memref<!tpu.dma_semaphore, #tpu.memory_space<semaphore_mem>>
          %dma_start3A = arith.constant 0 : i32
          %dma_start3A_40 = tpu.memref_slice %arg4[%scan3A_39, %dma_start3A] : memref<32x128xi32, #tpu.memory_space<vmem>> -> memref<1x128xi32, #tpu.memory_space<vmem>>
          %dma_start3A_41 = tpu.memref_squeeze %dma_start3A_40 : memref<1x128xi32, #tpu.memory_space<vmem>> -> memref<128xi32, #tpu.memory_space<vmem>>
          %dma_start3A_42 = arith.constant 0 : i32
          %dma_start3A_43 = tpu.memref_slice %arg9[%dma_start3A_42] : memref<1024xf32, #tpu.memory_space<vmem_shared>> -> memref<1024xf32, #tpu.memory_space<vmem_shared>>
          tpu.enqueue_indirect_dma source(%arg5 : memref<128xf32, #tpu.memory_space<vmem>>) target(%dma_start3A_43 : memref<1024xf32, #tpu.memory_space<vmem_shared>>) offsets(%dma_start3A_41 : memref<128xi32, #tpu.memory_space<vmem>>) semaphore(%run_scoped3A : memref<!tpu.dma_semaphore, #tpu.memory_space<semaphore_mem>>) {add = true}
          %dma_wait3A = arith.constant 0 : i32
          %dma_wait3A_44 = tpu.memref_slice %arg4[%scan3A_39, %dma_wait3A] : memref<32x128xi32, #tpu.memory_space<vmem>> -> memref<1x128xi32, #tpu.memory_space<vmem>>
          %dma_wait3A_45 = tpu.memref_squeeze %dma_wait3A_44 : memref<1x128xi32, #tpu.memory_space<vmem>> -> memref<128xi32, #tpu.memory_space<vmem>>
          %dma_wait3A_46 = arith.constant 0 : i32
          %dma_wait3A_47 = tpu.memref_slice %arg9[%dma_wait3A_46] : memref<1024xf32, #tpu.memory_space<vmem_shared>> -> memref<1024xf32, #tpu.memory_space<vmem_shared>>
          tpu.wait_indirect_dma semaphore(%run_scoped3A : memref<!tpu.dma_semaphore, #tpu.memory_space<semaphore_mem>>) src(%arg5 : memref<128xf32, #tpu.memory_space<vmem>>) dst(%dma_wait3A_47 : memref<1024xf32, #tpu.memory_space<vmem_shared>>)
          tpu.yield
        }) : () -> ()
      }
      %scan3A_27 = arith.constant 32 : i32
      %barrier3A_28 = arith.constant 0 : index
      tpu.barrier barrier_id(%barrier3A_28)
      %mul3A_29 = arith.constant 64 : i32
      %mul3A_30 = arith.muli %arg1, %mul3A_29 : i32
      "tpu.region"() ({
        %run_scoped3A = tpu.sem_alloc : memref<!tpu.dma_semaphore, #tpu.memory_space<semaphore_mem>>
        %dma_start3A = tpu.memref_slice %arg9[%mul3A_30] : memref<1024xf32, #tpu.memory_space<vmem_shared>> -> memref<64xf32, #tpu.memory_space<vmem_shared>>
        %dma_start3A_39 = tpu.memref_slice %arg9[%mul3A_30] : memref<1024xf32, #tpu.memory_space<vmem_shared>> -> memref<64xf32, #tpu.memory_space<vmem_shared>>
        tpu.enqueue_dma source(%dma_start3A_39 : memref<64xf32, #tpu.memory_space<vmem_shared>>) target(%arg7 : memref<64xf32, #tpu.memory_space<vmem>>) target_semaphore(%run_scoped3A : memref<!tpu.dma_semaphore, #tpu.memory_space<semaphore_mem>>)
        %dma_wait3A = tpu.memref_slice %arg9[%mul3A_30] : memref<1024xf32, #tpu.memory_space<vmem_shared>> -> memref<64xf32, #tpu.memory_space<vmem_shared>>
        %dma_wait3A_40 = tpu.memref_slice %arg9[%mul3A_30] : memref<1024xf32, #tpu.memory_space<vmem_shared>> -> memref<64xf32, #tpu.memory_space<vmem_shared>>
        tpu.wait_dma2 semaphore(%run_scoped3A : memref<!tpu.dma_semaphore, #tpu.memory_space<semaphore_mem>>) src(%dma_wait3A_40 : memref<64xf32, #tpu.memory_space<vmem_shared>>) dst(%arg7 : memref<64xf32, #tpu.memory_space<vmem>>)
        tpu.yield
      }) : () -> ()
      %scan3A_31 = arith.constant 0 : i32
      %scan3A_32 = arith.constant 0 : i32
      %scan3A_33 = arith.constant 4 : i32
      %scan3A_34 = arith.addi %scan3A_32, %scan3A_33 : i32
      %scan3A_35 = arith.constant 1 : i32
      scf.for %scan3A_39 = %scan3A_32 to %scan3A_34 step %scan3A_35  : i32 {
        %mul3A_40 = arith.constant 16 : i32
        %mul3A_41 = arith.muli %scan3A_39, %mul3A_40 : i32
        %get3A = arith.index_cast %mul3A_41 : i32 to index
        %get3A_42 = tpu.vector_load %arg7[%get3A] {strides = array<i32>} : memref<64xf32, #tpu.memory_space<vmem>>, vector<16xf32>,
        %add3A = arith.constant 1.000000e+00 : f32
        %add3A_43 = vector.broadcast %add3A : f32 to vector<16xf32>
        %add3A_44 = arith.addf %get3A_42, %add3A_43 : vector<16xf32>
        %bitcast_convert_type3A = tpu.bitcast %add3A_44 : vector<16xf32> -> vector<16xi32>
        %shift_right_logical3A = arith.constant 1 : i32
        %shift_right_logical3A_45 = vector.broadcast %shift_right_logical3A : i32 to vector<16xi32>
        %shift_right_logical3A_46 = arith.shrui %bitcast_convert_type3A, %shift_right_logical3A_45 : vector<16xi32>
        %sub3A = arith.constant 1597463007 : i32
        %sub3A_47 = vector.broadcast %sub3A : i32 to vector<16xi32>
        %sub3A_48 = arith.subi %sub3A_47, %shift_right_logical3A_46 : vector<16xi32>
        %bitcast_convert_type3A_49 = tpu.bitcast %sub3A_48 : vector<16xi32> -> vector<16xf32>
        %mul3A_50 = arith.constant 5.000000e-01 : f32
        %mul3A_51 = vector.broadcast %mul3A_50 : f32 to vector<16xf32>
        %mul3A_52 = arith.mulf %mul3A_51, %add3A_44 : vector<16xf32>
        %mul3A_53 = arith.mulf %mul3A_52, %bitcast_convert_type3A_49 : vector<16xf32>
        %mul3A_54 = arith.mulf %mul3A_53, %bitcast_convert_type3A_49 : vector<16xf32>
        %sub3A_55 = arith.constant 1.500000e+00 : f32
        %sub3A_56 = vector.broadcast %sub3A_55 : f32 to vector<16xf32>
        %sub3A_57 = arith.subf %sub3A_56, %mul3A_54 : vector<16xf32>
        %mul3A_58 = arith.mulf %bitcast_convert_type3A_49, %sub3A_57 : vector<16xf32>
        %mul3A_59 = arith.constant 5.000000e-01 : f32
        %mul3A_60 = vector.broadcast %mul3A_59 : f32 to vector<16xf32>
        %mul3A_61 = arith.mulf %mul3A_60, %add3A_44 : vector<16xf32>
        %mul3A_62 = arith.mulf %mul3A_61, %mul3A_58 : vector<16xf32>
        %mul3A_63 = arith.mulf %mul3A_62, %mul3A_58 : vector<16xf32>
        %sub3A_64 = arith.constant 1.500000e+00 : f32
        %sub3A_65 = vector.broadcast %sub3A_64 : f32 to vector<16xf32>
        %sub3A_66 = arith.subf %sub3A_65, %mul3A_63 : vector<16xf32>
        %mul3A_67 = arith.mulf %mul3A_58, %sub3A_66 : vector<16xf32>
        %mul3A_68 = arith.constant 5.000000e-01 : f32
        %mul3A_69 = vector.broadcast %mul3A_68 : f32 to vector<16xf32>
        %mul3A_70 = arith.mulf %mul3A_69, %add3A_44 : vector<16xf32>
        %mul3A_71 = arith.mulf %mul3A_70, %mul3A_67 : vector<16xf32>
        %mul3A_72 = arith.mulf %mul3A_71, %mul3A_67 : vector<16xf32>
        %sub3A_73 = arith.constant 1.500000e+00 : f32
        %sub3A_74 = vector.broadcast %sub3A_73 : f32 to vector<16xf32>
        %sub3A_75 = arith.subf %sub3A_74, %mul3A_72 : vector<16xf32>
        %mul3A_76 = arith.mulf %mul3A_67, %sub3A_75 : vector<16xf32>
        %mul3A_77 = arith.constant 16 : i32
        %mul3A_78 = arith.muli %scan3A_39, %mul3A_77 : i32
        %swap3A = arith.index_cast %mul3A_78 : i32 to index
        %swap3A_79 = tpu.vector_load %arg8[%swap3A] {strides = array<i32>} : memref<64xf32, #tpu.memory_space<vmem>>, vector<16xf32>,
        tpu.vector_store %arg8[%swap3A], %mul3A_76 {strides = array<i32>} : memref<64xf32, #tpu.memory_space<vmem>>, vector<16xf32>,
      }
      %scan3A_36 = arith.constant 4 : i32
      %mul3A_37 = arith.constant 64 : i32
      %mul3A_38 = arith.muli %arg1, %mul3A_37 : i32
      "tpu.region"() ({
        %run_scoped3A = tpu.sem_alloc : memref<!tpu.dma_semaphore, #tpu.memory_space<semaphore_mem>>
        %dma_start3A = tpu.memref_slice %arg3[%mul3A_38] : memref<1024xf32, #tpu.memory_space<hbm>> -> memref<64xf32, #tpu.memory_space<hbm>>
        %dma_start3A_39 = tpu.memref_slice %arg3[%mul3A_38] : memref<1024xf32, #tpu.memory_space<hbm>> -> memref<64xf32, #tpu.memory_space<hbm>>
        tpu.enqueue_dma source(%arg8 : memref<64xf32, #tpu.memory_space<vmem>>) target(%dma_start3A_39 : memref<64xf32, #tpu.memory_space<hbm>>) target_semaphore(%run_scoped3A : memref<!tpu.dma_semaphore, #tpu.memory_space<semaphore_mem>>)
        %dma_wait3A = tpu.memref_slice %arg3[%mul3A_38] : memref<1024xf32, #tpu.memory_space<hbm>> -> memref<64xf32, #tpu.memory_space<hbm>>
        %dma_wait3A_40 = tpu.memref_slice %arg3[%mul3A_38] : memref<1024xf32, #tpu.memory_space<hbm>> -> memref<64xf32, #tpu.memory_space<hbm>>
        tpu.wait_dma2 semaphore(%run_scoped3A : memref<!tpu.dma_semaphore, #tpu.memory_space<semaphore_mem>>) src(%arg8 : memref<64xf32, #tpu.memory_space<vmem>>) dst(%dma_wait3A_40 : memref<64xf32, #tpu.memory_space<hbm>>)
        tpu.yield
      }) : () -> ()
    } else {
    }
    return
  }
}

module attributes {stable_mosaic.version = 14 : i64} {
  func.func @_conv_tc_body(%arg0: i32, %arg1: i32, %arg2: memref<2048x8xf32, #tpu.memory_space<vmem>>, %arg3: memref<1026x1x2048xf32, #tpu.memory_space<vmem>>, %arg4: memref<3xf32, #tpu.memory_space<smem>>, %arg5: memref<1x1x1024xf32, #tpu.memory_space<vmem>>, %arg6: memref<1026x8xf32, #tpu.memory_space<vmem>>) attributes {dimension_semantics = [#tpu.dimension_semantics<arbitrary>, #tpu.dimension_semantics<arbitrary>], iteration_bounds = array<i64: 4, 5>, scalar_prefetch = 0 : i64, scratch_operands = 1 : i64, tpu.core_type = #tpu.core_type<tc>, window_params = [{transform_indices = @transform_0, window_bounds = array<i64: 2048, 8>}, {transform_indices = @transform_1, window_bounds = array<i64: 1026, 1, 2048>}, {transform_indices = @transform_2, window_bounds = array<i64: 3>}, {transform_indices = @transform_3, window_bounds = array<i64: 1, 1, 1024>}]} {
    %eq3A = arith.constant 0 : i32
    %eq3A_0 = arith.cmpi eq, %arg1, %eq3A : i32
    %convert_element_type3A = arith.extui %eq3A_0 : i1 to i32
    %cond3A = arith.constant 0 : i32
    %cond3A_1 = arith.cmpi ne, %convert_element_type3A, %cond3A : i32
    scf.if %cond3A_1 {
      %broadcast_in_dim3A_24 = arith.constant 0.000000e+00 : f32
      %broadcast_in_dim3A_25 = vector.broadcast %broadcast_in_dim3A_24 : f32 to vector<1026x8xf32>
      %swap3A_26 = arith.constant 0 : index
      %swap3A_27 = arith.constant 0 : index
      %swap3A_28 = vector.load %arg6[%swap3A_26, %swap3A_27] : memref<1026x8xf32, #tpu.memory_space<vmem>>, vector<1026x8xf32>
      tpu.vector_store %arg6[%swap3A_26, %swap3A_27], %broadcast_in_dim3A_25 {strides = array<i32>} : memref<1026x8xf32, #tpu.memory_space<vmem>>, vector<1026x8xf32>,
    } else {
    }
    %get3A = arith.constant 0 : index
    %get3A_2 = arith.constant 0 : index
    %get3A_3 = arith.constant 0 : index
    %get3A_4 = vector.load %arg3[%get3A, %get3A_2, %get3A_3] : memref<1026x1x2048xf32, #tpu.memory_space<vmem>>, vector<1026x1x2048xf32>
    %reshape3A = vector.shape_cast %get3A_4 : vector<1026x1x2048xf32> to vector<1026x2048xf32>
    %iota3A = tpu.iota {dimensions = array<i32: 1>} : vector<1026x2048xi32>
    %mul3A = arith.constant 2048 : i32
    %mul3A_5 = arith.muli %arg1, %mul3A : i32
    %add3A = vector.broadcast %mul3A_5 : i32 to vector<1026x2048xi32>
    %add3A_6 = arith.addi %iota3A, %add3A : vector<1026x2048xi32>
    %lt3A = arith.constant 10000 : i32
    %lt3A_7 = vector.broadcast %lt3A : i32 to vector<1026x2048xi32>
    %lt3A_8 = arith.cmpi slt, %add3A_6, %lt3A_7 : vector<1026x2048xi32>
    %jit3A = arith.constant 0.000000e+00 : f32
    %broadcast_in_dim3A = vector.broadcast %jit3A : f32 to vector<1026x2048xf32>
    %select_n3A = arith.select %lt3A_8, %reshape3A, %broadcast_in_dim3A : vector<1026x2048xi1>, vector<1026x2048xf32>
    %get3A_9 = arith.constant 0 : index
    %get3A_10 = arith.constant 0 : index
    %get3A_11 = vector.load %arg6[%get3A_9, %get3A_10] : memref<1026x8xf32, #tpu.memory_space<vmem>>, vector<1026x8xf32>
    %get3A_12 = arith.constant 0 : index
    %get3A_13 = arith.constant 0 : index
    %get3A_14 = vector.load %arg2[%get3A_12, %get3A_13] : memref<2048x8xf32, #tpu.memory_space<vmem>>, vector<2048x8xf32>
    %dot_general3A = arith.constant dense<0.000000e+00> : vector<1026x8xf32>
    %dot_general3A_15 = tpu.matmul %select_n3A, %get3A_14, %dot_general3A {dimension_numbers = #tpu.dot_dimension_numbers<[1], [0], [0], [1], [0, 0, 1, 1], [], []>, transpose_lhs_hint = false} : vector<1026x2048xf32>, vector<2048x8xf32>, vector<1026x8xf32> -> vector<1026x8xf32>
    %add3A_16 = arith.addf %get3A_11, %dot_general3A_15 : vector<1026x8xf32>
    %swap3A = arith.constant 0 : index
    %swap3A_17 = arith.constant 0 : index
    %swap3A_18 = vector.load %arg6[%swap3A, %swap3A_17] : memref<1026x8xf32, #tpu.memory_space<vmem>>, vector<1026x8xf32>
    tpu.vector_store %arg6[%swap3A, %swap3A_17], %add3A_16 {strides = array<i32>} : memref<1026x8xf32, #tpu.memory_space<vmem>>, vector<1026x8xf32>,
    %eq3A_19 = arith.constant 4 : i32
    %eq3A_20 = arith.cmpi eq, %arg1, %eq3A_19 : i32
    %convert_element_type3A_21 = arith.extui %eq3A_20 : i1 to i32
    %cond3A_22 = arith.constant 0 : i32
    %cond3A_23 = arith.cmpi ne, %convert_element_type3A_21, %cond3A_22 : i32
    scf.if %cond3A_23 {
      %get3A_24 = arith.constant 0 : index
      %get3A_25 = arith.constant 0 : index
      %get3A_26 = vector.load %arg6[%get3A_24, %get3A_25] : memref<1026x8xf32, #tpu.memory_space<vmem>>, vector<1026x8xf32>
      %get3A_27 = arith.constant 0 : index
      %get3A_28 = memref.load %arg4[%get3A_27] : memref<3xf32, #tpu.memory_space<smem>>
      %get3A_29 = arith.constant 1 : index
      %get3A_30 = memref.load %arg4[%get3A_29] : memref<3xf32, #tpu.memory_space<smem>>
      %get3A_31 = arith.constant 2 : index
      %get3A_32 = memref.load %arg4[%get3A_31] : memref<3xf32, #tpu.memory_space<smem>>
      %slice3A = vector.extract_strided_slice %get3A_26 {offsets = [0, 0], sizes = [1024, 1], strides = [1, 1]} : vector<1026x8xf32> to vector<1024x1xf32>
      %slice3A_33 = vector.extract_strided_slice %get3A_26 {offsets = [1, 1], sizes = [1024, 1], strides = [1, 1]} : vector<1026x8xf32> to vector<1024x1xf32>
      %add3A_34 = arith.addf %slice3A, %slice3A_33 : vector<1024x1xf32>
      %slice3A_35 = vector.extract_strided_slice %get3A_26 {offsets = [2, 2], sizes = [1024, 1], strides = [1, 1]} : vector<1026x8xf32> to vector<1024x1xf32>
      %add3A_36 = arith.addf %add3A_34, %slice3A_35 : vector<1024x1xf32>
      %add3A_37 = vector.broadcast %get3A_28 : f32 to vector<1024x1xf32>
      %add3A_38 = arith.addf %add3A_36, %add3A_37 : vector<1024x1xf32>
      %slice3A_39 = vector.extract_strided_slice %get3A_26 {offsets = [0, 3], sizes = [1024, 1], strides = [1, 1]} : vector<1026x8xf32> to vector<1024x1xf32>
      %slice3A_40 = vector.extract_strided_slice %get3A_26 {offsets = [1, 4], sizes = [1024, 1], strides = [1, 1]} : vector<1026x8xf32> to vector<1024x1xf32>
      %add3A_41 = arith.addf %slice3A_39, %slice3A_40 : vector<1024x1xf32>
      %slice3A_42 = vector.extract_strided_slice %get3A_26 {offsets = [2, 5], sizes = [1024, 1], strides = [1, 1]} : vector<1026x8xf32> to vector<1024x1xf32>
      %add3A_43 = arith.addf %add3A_41, %slice3A_42 : vector<1024x1xf32>
      %add3A_44 = vector.broadcast %get3A_30 : f32 to vector<1024x1xf32>
      %add3A_45 = arith.addf %add3A_43, %add3A_44 : vector<1024x1xf32>
      %neg3A = arith.constant 0.000000e+00 : f32
      %neg3A_46 = vector.broadcast %neg3A : f32 to vector<1024x1xf32>
      %neg3A_47 = arith.subf %neg3A_46, %add3A_45 : vector<1024x1xf32>
      %exp3A = math.exp %neg3A_47 : vector<1024x1xf32>
      %add3A_48 = arith.constant 1.000000e+00 : f32
      %add3A_49 = vector.broadcast %add3A_48 : f32 to vector<1024x1xf32>
      %add3A_50 = arith.addf %add3A_49, %exp3A : vector<1024x1xf32>
      %div3A = vector.broadcast %get3A_32 : f32 to vector<1024x1xf32>
      %div3A_51 = arith.divf %div3A, %add3A_50 : vector<1024x1xf32>
      %mul3A_52 = arith.mulf %add3A_38, %div3A_51 : vector<1024x1xf32>
      %transpose3A = tpu.transpose %mul3A_52, [1, 0] : vector<1024x1xf32> -> vector<1x1024xf32>
      %swap3A_53 = arith.constant 0 : index
      %swap3A_54 = arith.constant 0 : index
      %swap3A_55 = arith.constant 0 : index
      %swap3A_56 = vector.load %arg5[%swap3A_53, %swap3A_54, %swap3A_55] : memref<1x1x1024xf32, #tpu.memory_space<vmem>>, vector<1x1x1024xf32>
      %swap3A_57 = vector.shape_cast %swap3A_56 : vector<1x1x1024xf32> to vector<1x1024xf32>
      %swap3A_58 = vector.shape_cast %transpose3A : vector<1x1024xf32> to vector<1x1x1024xf32>
      tpu.vector_store %arg5[%swap3A_53, %swap3A_54, %swap3A_55], %swap3A_58 {strides = array<i32>} : memref<1x1x1024xf32, #tpu.memory_space<vmem>>, vector<1x1x1024xf32>,
    } else {
    }
    return
  }
  func.func @transform_0(%arg0: i32, %arg1: i32) -> (i32, i32) {
    %c0_i32 = arith.constant 0 : i32
    %c0_i32_0 = arith.constant 0 : i32
    return %arg1, %c0_i32 : i32, i32
  }
  func.func @transform_1(%arg0: i32, %arg1: i32) -> (i32, i32, i32) {
    %c0_i32 = arith.constant 0 : i32
    %c0_i32_0 = arith.constant 0 : i32
    return %arg0, %c0_i32, %arg1 : i32, i32, i32
  }
  func.func @transform_2(%arg0: i32, %arg1: i32) -> i32 {
    %c0_i32 = arith.constant 0 : i32
    %c0_i32_0 = arith.constant 0 : i32
    return %c0_i32 : i32
  }
  func.func @transform_3(%arg0: i32, %arg1: i32) -> (i32, i32, i32) {
    %c0_i32 = arith.constant 0 : i32
    %c0_i32_0 = arith.constant 0 : i32
    %c0_i32_1 = arith.constant 0 : i32
    return %arg0, %c0_i32, %c0_i32_0 : i32, i32, i32
  }
}

</mosaic_0001>

<sc_bundles>
// kernel: kernel.5.cloned.1.call-start
scs
__scs_entry_jumppad:
0x0: {  	(pc) =	sbr.rel $0x88, $3  }
0x1: {  	(tag) =	ssettag $0x0;
	lr =	simm.s32 $0x1  }
0x2: {  	[smem:$0x3F9B] =	sst lr;
	_ =	strace $0xD0000000  }
0x3: {  	_ = 	snop  }
0x4: {  	_ = 	snop  }
0x5: {  	_ = 	snop  }
0x6: {  	_ = 	snop  }
0x7: {  	_ = 	snop  }
__scs_overlays_trampoline_lowered:
0x8: {  	[smem:$0x3FAA] =	sst s0  }
0x9: {  	[smem:$0x3FAB] =	sst s1  }
0xa: {  	[smem:$0x3FAC] =	sst s2  }
0xb: {  	[smem:$0x3FAD] =	sst s3  }
0xc: {  	[smem:$0x3FAE] =	sst s4  }
0xd: {  	[smem:$0x3FAF] =	sst s5  }
0xe: {  	[smem:$0x3FB0] =	sst s6  }
0xf: {  	[smem:$0x3FB1] =	sst s7  }
0x10: {  	[smem:$0x3FB2] =	sst s8  }
0x11: {  	[smem:$0x3FB3] =	sst s9;
	s0 =	simm.s32 @!p0 $0x0  }
0x12: {  	s1 =	sld [smem:$0x3F99];
	s0 =	simm.s32 @p0 $0x1  }
0x13: {  	[smem:$0x3FB4] =	sst s0;
	s0 =	simm.s32 @!p1 $0x0  }
0x14: {  	s2 =	sld [smem:$0x3F98];
	s0 =	simm.s32 @p1 $0x1  }
0x15: {  	[smem:$0x3FB5] =	sst s0;
	s0 =	simm.s32 @!p2 $0x0  }
0x16: {  	s3 =	sld [smem:$0x3FDB];
	s0 =	simm.s32 @p2 $0x1  }
0x17: {  	s4 =	simm.s32 $0x1BF5;
	[smem:$0x3FB7] =	sst s0  }
0x18: {  	s0 =	sld [smem:$0x3F9A];
	_ =	swait.ge [sflag:s4], $0x0  }
0x19: {  	s7 =	sld [smem:$0x3F9B]  }
0x1a: {  	s8 =	sadd.s32 $0xFFFFE003, lr  }
0x1b: {  	s9 =	sadd.s32 $0xFFFFFEF7, lr;
	s5 =	simm.s32 $0xFFFFFFFF;
	p2 =	slt.u32 s8, $0xFFFFF086  }
0x1c: {  	p1 =	slt.u32 s9, $0xF7A;
	s5 =	simm.s32 @!p2 $0x0  }
0x1d: {  	s5 =	simm.s32 @p1 $0x1;
	p0 =	seq.s32 s7, s2  }
0x1e: {  	s7 =	smul.u32 @!p0 $0xF7A, s2;
	p2 =	seq.s32 @!p0 s5, $0x0  }
0x1f: {  	s9 =	smul.u32 $0xF7A, s1;
	s8 =	simm.s32 @!p0 $0x1BF5;
	p2 =	por !p2, p0  }
0x20: {  	[sflag:s8] =	ssyncset.s32 @!p0 $0xFFFFF086;
	s6 =	sadd.s32 @!p0 s3, s7;
	s7 =	simm.s32 @!p0 $0x108  }
0x21: {  	s3 =	sadd.s32 s3, s9;
	s6 =	sadd.s32 @!p0 $0x88, s6;
	s7 =	simm.s32 @p2 $0x1082  }
0x22: {  	[simem:s7], [sflag:s8] =	dma.local @!p0 [hbm:s6], $0xF7A  }
0x23: {  	s9 =	sor.u32 $0xD0000000, s2;
	s6 =	simm.s32 $0x108;
	_ =	swait.ge @!p0 [sflag:s8], $0x0  }
0x24: {  	s3 =	sadd.s32 $0x88, s3;
	s6 =	simm.s32 @!p1 $0x1082;
	[sflag:s4] =	ssyncset.s32 $0xFFFFF086  }
0x25: {  	[simem:s6], [sflag:s4] =	dma.local [hbm:s3], $0xF7A  }
0x26: {  	[smem:$0x3F9B] =	sst s1;
	(tag) =	ssettag s2;
	_ =	strace s9  }
0x27: {  	s1 =	sld [smem:$0x3FAB]  }
0x28: {  	s2 =	sld [smem:$0x3FAC]  }
0x29: {  	s4 =	sld [smem:$0x3FAE]  }
0x2a: {  	p0 =	seq.s32 s5, $0x0;
	s5 =	sld [smem:$0x3FAF]  }
0x2b: {  	s6 =	sld [smem:$0x3FB0]  }
0x2c: {  	s7 =	sld [smem:$0x3FB1]  }
0x2d: {  	s3 =	simm.s32 $0x108;
	s8 =	sld [smem:$0x3FB2]  }
0x2e: {  	s3 =	simm.s32 @!p0 $0x1082;
	s9 =	sld [smem:$0x3FB3]  }
0x2f: {  	lr =	sadd.s32 s0, s3;
	s0 =	sld [smem:$0x3FAA]  }
0x30: {  	s3 =	sld [smem:$0x3FAD]  }
0x31: {  	[smem:$0x3FB6] =	sst s10  }
0x32: {  	s10 =	sld [smem:$0x3FB4];
	_ =	sdelay $0x3  }
0x33: {  	p0 =	seq.s32 s10, $0x1;
	s10 =	sld [smem:$0x3FB6];
	_ =	sdelay $0x3  }
0x34: {  	[smem:$0x3FB6] =	sst s10  }
0x35: {  	s10 =	sld [smem:$0x3FB5];
	_ =	sdelay $0x3  }
0x36: {  	p1 =	seq.s32 s10, $0x1;
	s10 =	sld [smem:$0x3FB6];
	_ =	sdelay $0x3  }
0x37: {  	[smem:$0x3FB6] =	sst s10  }
0x38: {  	s10 =	sld [smem:$0x3FB7]  }
0x39: {  	_ = 	snop;
	(pc) =	sbr.ind lr, $3  }
0x3a: {  	_ = 	snop  }
0x3b: {  	_ = 	snop  }
0x3c: {  	p2 =	seq.s32 s10, $0x1;
	s10 =	sld [smem:$0x3FB6]  }
0x3d: {  	_ =	shalt  }
0x3e: {  	_ =	shalt  }
0x3f: {  	_ =	shalt  }
0x40: {  	_ =	shalt  }
0x41: {  	_ =	shalt  }
0x42: {  	_ =	shalt  }
0x43: {  	_ =	shalt  }
0x44: {  	_ =	shalt  }
0x45: {  	_ =	shalt  }
0x46: {  	_ =	shalt  }
0x47: {  	_ =	shalt  }
0x48: {  	_ =	shalt  }
0x49: {  	_ =	shalt  }
0x4a: {  	_ =	shalt  }
0x4b: {  	_ =	shalt  }
0x4c: {  	_ =	shalt  }
0x4d: {  	_ =	shalt  }
0x4e: {  	_ =	shalt  }
0x4f: {  	_ =	shalt  }
0x50: {  	_ =	shalt  }
0x51: {  	_ =	shalt  }
0x52: {  	_ =	shalt  }
0x53: {  	_ =	shalt  }
0x54: {  	_ =	shalt  }
0x55: {  	_ =	shalt  }
0x56: {  	_ =	shalt  }
0x57: {  	_ =	shalt  }
0x58: {  	_ =	shalt  }
0x59: {  	_ =	shalt  }
0x5a: {  	_ =	shalt  }
0x5b: {  	_ =	shalt  }
0x5c: {  	_ =	shalt  }
0x5d: {  	_ =	shalt  }
0x5e: {  	_ =	shalt  }
0x5f: {  	_ =	shalt  }
0x60: {  	_ =	shalt  }
0x61: {  	_ =	shalt  }
0x62: {  	_ =	shalt  }
0x63: {  	_ =	shalt  }
0x64: {  	_ =	shalt  }
0x65: {  	_ =	shalt  }
0x66: {  	_ =	shalt  }
0x67: {  	_ =	shalt  }
0x68: {  	_ =	shalt  }
0x69: {  	_ =	shalt  }
0x6a: {  	_ =	shalt  }
0x6b: {  	_ =	shalt  }
0x6c: {  	_ =	shalt  }
0x6d: {  	_ =	shalt  }
0x6e: {  	_ =	shalt  }
0x6f: {  	_ =	shalt  }
0x70: {  	_ =	shalt  }
0x71: {  	_ =	shalt  }
0x72: {  	_ =	shalt  }
0x73: {  	_ =	shalt  }
0x74: {  	_ =	shalt  }
0x75: {  	_ =	shalt  }
0x76: {  	_ =	shalt  }
0x77: {  	_ =	shalt  }
0x78: {  	_ =	shalt  }
0x79: {  	_ =	shalt  }
0x7a: {  	_ =	shalt  }
0x7b: {  	_ =	shalt  }
0x7c: {  	_ =	shalt  }
0x7d: {  	_ =	shalt  }
0x7e: {  	_ =	shalt  }
0x7f: {  	_ =	shalt  }
0x80: {  	_ =	shalt  }
0x81: {  	_ =	shalt  }
0x82: {  	_ =	shalt  }
0x83: {  	_ =	shalt  }
0x84: {  	_ =	shalt  }
0x85: {  	_ =	shalt  }
0x86: {  	_ =	shalt  }
0x87: {  	_ =	shalt  }
.Lfunc_end0:
.L_simem_size_0:
called_computation_lowered:
.L_overlay_start_0:
0x88: {  	s2 =	sld [smem:$0x3FD9]  }
0x89: {  	s3 =	sld [smem:$0x3FFE];
	_ =	sdelay $0x1  }
0x8a: {  	s1 =	srdreg.scid  }
0x8b: {  	s0 =	sand.u32 $0x1, s1  }
0x8c: {  	s16 =	sshll.u32 s0, $0xA;
	s2 =	sadd.s32 s3, s2  }
0x8d: {  	s2 =	sadd.s32 s2, s16  }
0x8e: {  	[smem:$0x3FC2] =	sst s2  }
0x8f: {  	_ = 	snop  }
0x90: {  	(tm) =	ssettm $0x1  }
0x91: {  	s17 =	sld [smem:$0x3FFB];
	_ =	sdelay $0x3  }
0x92: {  	_ =	strace s17  }
0x93: {  	s2 =	sld [smem:$0x3FFC];
	_ =	sdelay $0x3  }
0x94: {  	_ =	strace s2  }
0x95: {  	s2 =	sld [smem:$0x3FFD];
	_ =	sdelay $0x3  }
0x96: {  	_ =	strace s2  }
0x97: {  	_ =	strace $0x8FFFFFFF  }
0x98: {  	s18 =	sld [smem:$0x3FDB];
	_ =	sdelay $0x1  }
0x99: {  	s19 =	simm.s32 $_scs_section_size  }
0x9a: {  	s4 =	simm.s32 $_size__tile_overlayer_lowered;
	s5 =	simm.s32 $_tile_overlayer_lowered  }
0x9b: {  	s22 =	simm.s32 $0x1BFF;
	s21 =	sshll.u32 s5, $0x1;
	s2 =	sadd.s32 s19, s18  }
0x9c: {  	s6 =	simm.s32 $0x0;
	s20 =	sshll.u32 s4, $0x1;
	s4 =	sadd.s32 s21, s2  }
0x9d: {  	[timem:s6], [sflag:s22] =	dma.local [hbm:s4], s20  }
0x9e: {  	_ =	swait.ge [sflag:s22], s20  }
0x9f: {  	s3 =	ssub.s32 $0x0, s20;
	[sflag:s22] =	ssyncset.done $0x0  }
0xa0: {  	[sflag:s22] =	ssyncadd.s32 s3;
	_ =	sdelay $0x1  }
0xa1: {  	s23 =	simm.s32 $0x1B8B  }
0xa2: {  	_ =	swait.ge [sflag:s23], $0x1  }
0xa3: {  	[sflag:s23] =	ssyncset.done $0x0  }
0xa4: {  	s25 =	simm.s32 $0x1B8E;
	s24 =	sld [smem:$0x3FFE];
	[sflag:s23] =	ssyncadd.s32 $0xFFFFFFFF  }
0xa5: {  	s26 =	simm.s32 $execute0_lowered;
	[smem:$0x3FD2] =	sst s25  }
0xa6: {  	s4 =	sshll.u32 s26, $0x1;
	_ =	strace $0x80000046;
	[dreg:$0x1] =	wrdreg $0xFFFFFFFF  }
0xa7: {  	s28 =	simm.s32 $_size_execute0_lowered;
	s2 =	sadd.s32 s2, s4;
	[dreg:$0x0] =	wrdreg $0x0  }
0xa8: {  	s4 =	sshll.u32 s28, $0x1;
	[dreg:$0x2] =	wrdreg s2  }
0xa9: {  	[dreg:$0x3] =	wrdreg s4  }
0xaa: {  	[dreg:$0x4] =	wrdreg $0xC0  }
0xab: {  	_ =	task [dreg:s6], $0x5FFFF  }
0xac: {  	[dreg:$0x1] =	wrdreg $0xFFFFFFFF  }
0xad: {  	[dreg:$0x0] =	wrdreg $0x60  }
0xae: {  	[dreg:$0x2] =	wrdreg s24  }
0xaf: {  	[dreg:$0x3] =	wrdreg $0x15000  }
0xb0: {  	[dreg:$0x4] =	wrdreg $0x9  }
0xb1: {  	_ =	task.clear_ibuf [dreg:s6], $0x5FFFF;
	_ =	strace $0x90000046  }
0xb2: {  	s29 =	simm.s32 $0x9;
	_ =	strace $0x80000048  }
0xb3: {  	_ =	swait.ge [sflag:s29], $0x1  }
0xb4: {  	[sflag:s29] =	ssyncadd.s32 $0xFFFFFFFF  }
0xb5: {  	_ =	strace $0x90000048  }
0xb6: {  	_ =	sfence  }
0xb7: {  	s30 =	sld [smem:$0x0];
	_ =	sdelay $0x2  }
0xb8: {  	s31 =	sshll.u32 s1, $0xD;
	s1 =	sshrl.u32 s1, $0x2  }
0xb9: {  	s3 =	sand.u32 $0x4000, s31;
	s1 =	sadd.s32 s1, s30  }
0xba: {  	s0 =	sor.u32 s3, s0;
	s1 =	sshll.u32 s1, $0x11  }
0xbb: {  	s0 =	sor.u32 s1, s0  }
0xbc: {  	s0 =	sadd.s32 $0x8F2B, s0  }
0xbd: {  	[sflag:s0] =	ssyncadd.remote.s32 $0x1  }
0xbe: {  	_ =	sfence.sel $0xFFFF  }
0xbf: {  	[dreg:$0x0] =	wrdreg $0xFFFFFFFF;
	(pc) =	sbr.abs _section_cstart, $3  }
0xc0: {  	[dreg:$0x1] =	wrdreg $0xFFFFFFFF  }
0xc1: {  	_ =	task.clear_ibuf [dreg:s6], $0x2FFFF;
	_ =	strace $0x9FFFFFFF  }
0xc2: {  	(tm) =	ssettm $0x7FFFFFFF  }
0xc3: {  	_ =	shalt  }
tec
execute0_lowered:
.L_overlay_start_1:
0x0: {  	(tag) =	ssettag $0x1  }
0x1: {  	s1 =	srdreg.scid  }
0x2: {  	s1 =	sand.u32 $0x1, s1  }
0x3: {  	p0 =	seq.s32 s1, $0x1  }
.Ltmp0:
0x4: {  	_ = 	snop;
	(pc) =	sbr.rel @p0 .LBB2_6-.Ltmp0, $4  }
0x5: {  	s2 =	rddreg [dreg:$0x0]  }
0x6: {  	s3 =	rddreg [dreg:$0x1];
	s4 =	simm.s32 $0x0  }
0x7: {  	[smem:$0x7FF] =	sst s4  }
0x8: {  	s0 =	rddreg [dreg:$0x2];
	_ =	strace $0x80000047;
	s1 =	stileid.u32  }
0x9: {  	s5 =	sadd.s32 $0xE00, s2;
	s6 =	sshll.u32 s1, $0x9  }
0xa: {  	s28 =	simm.s32 $0x1;
	s5 =	sadd.s32 s5, s6  }
0xb: {  	[tilespmem:s4], [sflag:$0x1] =	stream.linear.gather [hbm4b:s5+s4], $0x1000, $0x38;
	[tilespmem:$0x1540] =	vst v63  }
0xc: {  	_ =	swait.ge [sflag:s28], $0x1000  }
0xd: {  	[sflag:s28] =	ssyncset.done $0x0  }
0xe: {  	v0 =	vimm.f32 $1.000000000e+00;
	[sflag:s28] =	ssyncadd.s32 $0xFFFFF000  }
0xf: {  	[tilespmem:$0x1000] =	vst v0  }
0x10: {  	[tilespmem:$0x1010] =	vst v0  }
0x11: {  	[tilespmem:$0x1020] =	vst v0  }
0x12: {  	[tilespmem:$0x1030] =	vst v0  }
0x13: {  	[tilespmem:$0x1040] =	vst v0  }
0x14: {  	s29 =	sshll.u32 s1, $0x3;
	[tilespmem:$0x1050] =	vst v0  }
0x15: {  	s30 =	sshll.u32 s1, $0x6;
	s31 =	sadd.s32 s29, s2;
	s6 =	simm.s32 $0x0;
	[tilespmem:$0x1060] =	vst v0  }
0x16: {  	s4 =	sadd.s32 s30, s3;
	s2 =	sadd.s32 $0x4E00, s31;
	s5 =	simm.s32 $0x40;
	[tilespmem:$0x1070] =	vst v0;
	v0 =	vimm.f32 $0.0e+00  }
.LBB2_2:
0x17: {  	p0 =	sne.s32 s5, $0xFC0;
	[tilespmem:s6+$0x1080] =	vst v0;
	s6 =	smov.u32 s5;
	s5 =	sadd.s32 $0x40, s5  }
.Ltmp1:
0x18: {  	(pc) =	sbr.rel @p0 .LBB2_2-.Ltmp1, $2  }
0x19: {  	_ =	sdelay $0x2  }
0x1a: {  	s6 =	sshra.s32 s6, $0x2  }
0x1b: {  	p0 =	sne.s32 s1, $0x0  }
0x1c: {  	[tilespmem:s6+$0x1080] =	vst v0;
	s5 =	simm.s32 @!p0 $0x1080  }
0x1d: {  	[spmem:s3] =	stream.linear.scatter @!p0 [tilespmem:s5], [sflag:$0x1], $0x400, $0x38;
	[tilespmem:$0x1540] =	vst v63  }
0x1e: {  	s5 =	simm.s32 @!p0 $0x1  }
0x1f: {  	_ =	swait.ge @!p0 [sflag:s5], $0x400  }
0x20: {  	[sflag:s5] =	ssyncset.done @!p0 $0x0  }
0x21: {  	s7 =	simm.s32 $0x1000;
	s6 =	simm.s32 $0x1;
	[sflag:s5] =	ssyncadd.s32 @!p0 $0xFFFFFC00  }
0x22: {  	s8 =	simm.s32 $0x0;
	s5 =	simm.s32 $0x80;
	[bflag:$0x0] =	sbarrier.arrive $0xFFFF  }
0x23: {  	[spmem:s3] =	stream.indirect.scatter.add.f32 [tilespmem:s7], [sflag:$0x1], $0x1, s8, s5, $0xb8;
	[tilespmem:$0x1540] =	vst v63  }
0x24: {  	_ =	swait.ge [sflag:s6], $0x80  }
0x25: {  	s8 =	simm.s32 $0x200;
	[sflag:s6] =	ssyncset.done $0x0  }
.LBB2_4:
0x26: {  	s9 =	sshra.s32 s8, $0x2;
	[sflag:s6] =	ssyncadd.s32 $0xFFFFFF80;
	p0 =	sne.s32 s8, $0x3E00  }
0x27: {  	[spmem:s3] =	stream.indirect.scatter.add.f32 [tilespmem:s7], [sflag:$0x1], $0x1, s9, s5, $0xb8;
	[tilespmem:$0x1540] =	vst v63  }
.Ltmp2:
0x28: {  	_ = 	snop;
	(pc) =	sbr.rel @p0 .LBB2_4-.Ltmp2, $4  }
0x29: {  	_ = 	snop  }
0x2a: {  	s8 =	sadd.s32 $0x200, s8  }
0x2b: {  	_ =	swait.ge [sflag:s6], $0x80  }
0x2c: {  	[sflag:s6] =	ssyncset.done $0x0  }
0x2d: {  	[sflag:s6] =	ssyncadd.s32 $0xFFFFFF80  }
0x2e: {  	s3 =	simm.s32 $0x1480;
	s30 =	simm.s32 $0x1;
	[bflag:$0x0] =	sbarrier.arrive $0xFFFF  }
0x2f: {  	[tilespmem:s3], [sflag:$0x1] =	stream.linear.gather [spmem:s4], $0x40, $0x38;
	[tilespmem:$0x1540] =	vst v63  }
0x30: {  	_ =	swait.ge [sflag:s30], $0x40  }
0x31: {  	[sflag:s30] =	ssyncset.done $0x0  }
0x32: {  	[sflag:s30] =	ssyncadd.s32 $0xFFFFFFC0  }
0x33: {  	v0 =	vld [tilespmem:$0x1480]  }
0x34: {  	v1 =	vld [tilespmem:$0x1490]  }
0x35: {  	v2 =	vld [tilespmem:$0x14A0]  }
0x36: {  	v3 =	vld [tilespmem:$0x14B0];
	_ =	sdelay $0x2  }
0x37: {  	v0 =	vadd.f32 $1.000000000e+00, v0  }
0x38: {  	v1 =	vadd.f32 $1.000000000e+00, v1  }
0x39: {  	v2 =	vadd.f32 $1.000000000e+00, v2;
	v3 =	vadd.f32 $1.000000000e+00, v3;
	v4 =	vshrl.u32 v0, $0x1  }
0x3a: {  	v0 =	vmul.f32 $5.000000000e-01, v0;
	v5 =	vshrl.u32 v1, $0x1;
	v1 =	vmul.f32 $5.000000000e-01, v1  }
0x3b: {  	v8 =	vshrl.u32 v2, $0x1;
	v2 =	vmul.f32 $5.000000000e-01, v2;
	v4 =	vsub.s32 $0x5F3759DF, v4  }
0x3c: {  	v9 =	vshrl.u32 v3, $0x1;
	v5 =	vsub.s32 $0x5F3759DF, v5;
	v6 =	vmul.f32 v4, v0  }
0x3d: {  	v3 =	vmul.f32 $5.000000000e-01, v3;
	v8 =	vsub.s32 $0x5F3759DF, v8;
	v7 =	vmul.f32 v5, v1  }
0x3e: {  	v9 =	vsub.s32 $0x5F3759DF, v9;
	v10 =	vmul.f32 v8, v2;
	v6 =	vmul.f32 v4, v6  }
0x3f: {  	v11 =	vmul.f32 v9, v3;
	v7 =	vmul.f32 v5, v7  }
0x40: {  	v10 =	vmul.f32 v8, v10;
	v6 =	vsub.f32 $1.500000000e+00, v6  }
0x41: {  	v11 =	vmul.f32 v9, v11;
	v7 =	vsub.f32 $1.500000000e+00, v7  }
0x42: {  	v53 =	vsub.f32 $1.500000000e+00, v10;
	v4 =	vmul.f32 v4, v6  }
0x43: {  	v54 =	vsub.f32 $1.500000000e+00, v11;
	v5 =	vmul.f32 v5, v7  }
0x44: {  	v6 =	vmul.f32 v8, v53;
	v55 =	vmul.f32 v4, v0  }
0x45: {  	v7 =	vmul.f32 v9, v54;
	v56 =	vmul.f32 v5, v1  }
0x46: {  	v58 =	vmul.f32 v6, v2;
	v57 =	vmul.f32 v55, v4  }
0x47: {  	v59 =	vmul.f32 v7, v3;
	v8 =	vmul.f32 v56, v5  }
0x48: {  	v10 =	vmul.f32 v58, v6;
	v9 =	vsub.f32 $1.500000000e+00, v57  }
0x49: {  	v11 =	vmul.f32 v59, v7;
	v8 =	vsub.f32 $1.500000000e+00, v8  }
0x4a: {  	v60 =	vsub.f32 $1.500000000e+00, v10;
	v4 =	vmul.f32 v9, v4  }
0x4b: {  	v61 =	vsub.f32 $1.500000000e+00, v11;
	v5 =	vmul.f32 v8, v5  }
0x4c: {  	v6 =	vmul.f32 v60, v6;
	v0 =	vmul.f32 v4, v0  }
0x4d: {  	v7 =	vmul.f32 v61, v7;
	v1 =	vmul.f32 v5, v1  }
0x4e: {  	v2 =	vmul.f32 v6, v2;
	v0 =	vmul.f32 v0, v4  }
0x4f: {  	v3 =	vmul.f32 v7, v3;
	v1 =	vmul.f32 v1, v5  }
0x50: {  	v2 =	vmul.f32 v2, v6;
	v0 =	vsub.f32 $1.500000000e+00, v0  }
0x51: {  	v3 =	vmul.f32 v3, v7;
	v1 =	vsub.f32 $1.500000000e+00, v1  }
0x52: {  	v2 =	vsub.f32 $1.500000000e+00, v2;
	v0 =	vmul.f32 v0, v4  }
0x53: {  	v3 =	vsub.f32 $1.500000000e+00, v3;
	v1 =	vmul.f32 v1, v5  }
0x54: {  	v62 =	vmul.f32 v2, v6;
	[tilespmem:$0x14C0] =	vst v0  }
0x55: {  	v63 =	vmul.f32 v3, v7;
	[tilespmem:$0x14D0] =	vst v1  }
0x56: {  	[tilespmem:$0x14E0] =	vst v62  }
0x57: {  	s31 =	simm.s32 $0x0;
	s5 =	simm.s32 $0x14C0;
	[tilespmem:$0x14F0] =	vst v63  }
0x58: {  	[hbm4b:s2+s31] =	stream.linear.scatter [tilespmem:s5], [sflag:$0x1], $0x40, $0x38;
	[tilespmem:$0x1540] =	vst v63  }
0x59: {  	_ =	swait.ge [sflag:s30], $0x40  }
0x5a: {  	[sflag:s30] =	ssyncset.done $0x0  }
0x5b: {  	[sflag:s30] =	ssyncadd.s32 $0xFFFFFFC0  }
.LBB2_6:
0x5c: {  	_ =	sfence.sel $0x180000  }
0x5d: {  	[bflag:$0x0] =	sbarrier.arrive $0xFFFF  }
0x5e: {  	p0 =	sne.s32 s1, $0x0;
	_ =	strace $0x90000047  }
0x5f: {  	s0 =	sadd.s32 @!p0 $0x100000, s0;
	[bflag:$0x2] =	sbarrier.arrive $0xFFFF  }
0x60: {  	[sflag:s0] =	ssyncadd.tile.s32 @!p0 $0x1;
	_ =	shalt  }
.Lfunc_end2:
_tile_overlayer_lowered:
.L_overlay_start_2:
0x61: {  	(tag) =	ssettag $0x2  }
0x62: {  	s0 =	rddreg [dreg:$0x0];
	s2 =	stileid.u32  }
0x63: {  	s1 =	rddreg [dreg:$0x1];
	p0 =	sne.s32 s2, $0x0  }
0x64: {  	s3 =	rddreg [dreg:$0x2];
	[bflag:$0x3] =	sbarrier.arrive $0xFFFF;
	s2 =	simm.s32 @!p0 $0x1C01  }
0x65: {  	[timem:s3], [sflag:s2] =	dma.local @!p0 [hbm:s0], s1  }
0x66: {  	s0 =	simm.s32 @!p0 $0x1  }
0x67: {  	_ =	swait.ge @!p0 [sflag:s0], s1  }
0x68: {  	s1 =	ssub.s32 @!p0 $0x0, s1;
	[sflag:s0] =	ssyncset.done @!p0 $0x0  }
0x69: {  	[sflag:s0] =	ssyncadd.s32 @!p0 s1  }
0x6a: {  	[bflag:$0x3] =	sbarrier.arrive $0xFFFF  }
0x6b: {  	_ =	shalt  }

// kernel: kernel.8.cloned.1.call-start
scs
__scs_entry_jumppad:
0x0: {  	(pc) =	sbr.rel $0x88, $3  }
0x1: {  	(tag) =	ssettag $0x0;
	lr =	simm.s32 $0x1  }
0x2: {  	[smem:$0x3F9B] =	sst lr;
	_ =	strace $0xD0000000  }
0x3: {  	_ = 	snop  }
0x4: {  	_ = 	snop  }
0x5: {  	_ = 	snop  }
0x6: {  	_ = 	snop  }
0x7: {  	_ = 	snop  }
__scs_overlays_trampoline_lowered:
0x8: {  	[smem:$0x3FAA] =	sst s0  }
0x9: {  	[smem:$0x3FAB] =	sst s1  }
0xa: {  	[smem:$0x3FAC] =	sst s2  }
0xb: {  	[smem:$0x3FAD] =	sst s3  }
0xc: {  	[smem:$0x3FAE] =	sst s4  }
0xd: {  	[smem:$0x3FAF] =	sst s5  }
0xe: {  	[smem:$0x3FB0] =	sst s6  }
0xf: {  	[smem:$0x3FB1] =	sst s7  }
0x10: {  	[smem:$0x3FB2] =	sst s8  }
0x11: {  	[smem:$0x3FB3] =	sst s9;
	s0 =	simm.s32 @!p0 $0x0  }
0x12: {  	s1 =	sld [smem:$0x3F99];
	s0 =	simm.s32 @p0 $0x1  }
0x13: {  	[smem:$0x3FB4] =	sst s0;
	s0 =	simm.s32 @!p1 $0x0  }
0x14: {  	s2 =	sld [smem:$0x3F98];
	s0 =	simm.s32 @p1 $0x1  }
0x15: {  	[smem:$0x3FB5] =	sst s0;
	s0 =	simm.s32 @!p2 $0x0  }
0x16: {  	s3 =	sld [smem:$0x3FDB];
	s0 =	simm.s32 @p2 $0x1  }
0x17: {  	s4 =	simm.s32 $0x1BF5;
	[smem:$0x3FB7] =	sst s0  }
0x18: {  	s0 =	sld [smem:$0x3F9A];
	_ =	swait.ge [sflag:s4], $0x0  }
0x19: {  	s7 =	sld [smem:$0x3F9B]  }
0x1a: {  	s8 =	sadd.s32 $0xFFFFE003, lr  }
0x1b: {  	s9 =	sadd.s32 $0xFFFFFEF7, lr;
	s5 =	simm.s32 $0xFFFFFFFF;
	p2 =	slt.u32 s8, $0xFFFFF086  }
0x1c: {  	p1 =	slt.u32 s9, $0xF7A;
	s5 =	simm.s32 @!p2 $0x0  }
0x1d: {  	s5 =	simm.s32 @p1 $0x1;
	p0 =	seq.s32 s7, s2  }
0x1e: {  	s7 =	smul.u32 @!p0 $0xF7A, s2;
	p2 =	seq.s32 @!p0 s5, $0x0  }
0x1f: {  	s9 =	smul.u32 $0xF7A, s1;
	s8 =	simm.s32 @!p0 $0x1BF5;
	p2 =	por !p2, p0  }
0x20: {  	[sflag:s8] =	ssyncset.s32 @!p0 $0xFFFFF086;
	s6 =	sadd.s32 @!p0 s3, s7;
	s7 =	simm.s32 @!p0 $0x108  }
0x21: {  	s3 =	sadd.s32 s3, s9;
	s6 =	sadd.s32 @!p0 $0x88, s6;
	s7 =	simm.s32 @p2 $0x1082  }
0x22: {  	[simem:s7], [sflag:s8] =	dma.local @!p0 [hbm:s6], $0xF7A  }
0x23: {  	s9 =	sor.u32 $0xD0000000, s2;
	s6 =	simm.s32 $0x108;
	_ =	swait.ge @!p0 [sflag:s8], $0x0  }
0x24: {  	s3 =	sadd.s32 $0x88, s3;
	s6 =	simm.s32 @!p1 $0x1082;
	[sflag:s4] =	ssyncset.s32 $0xFFFFF086  }
0x25: {  	[simem:s6], [sflag:s4] =	dma.local [hbm:s3], $0xF7A  }
0x26: {  	[smem:$0x3F9B] =	sst s1;
	(tag) =	ssettag s2;
	_ =	strace s9  }
0x27: {  	s1 =	sld [smem:$0x3FAB]  }
0x28: {  	s2 =	sld [smem:$0x3FAC]  }
0x29: {  	s4 =	sld [smem:$0x3FAE]  }
0x2a: {  	p0 =	seq.s32 s5, $0x0;
	s5 =	sld [smem:$0x3FAF]  }
0x2b: {  	s6 =	sld [smem:$0x3FB0]  }
0x2c: {  	s7 =	sld [smem:$0x3FB1]  }
0x2d: {  	s3 =	simm.s32 $0x108;
	s8 =	sld [smem:$0x3FB2]  }
0x2e: {  	s3 =	simm.s32 @!p0 $0x1082;
	s9 =	sld [smem:$0x3FB3]  }
0x2f: {  	lr =	sadd.s32 s0, s3;
	s0 =	sld [smem:$0x3FAA]  }
0x30: {  	s3 =	sld [smem:$0x3FAD]  }
0x31: {  	[smem:$0x3FB6] =	sst s10  }
0x32: {  	s10 =	sld [smem:$0x3FB4];
	_ =	sdelay $0x3  }
0x33: {  	p0 =	seq.s32 s10, $0x1;
	s10 =	sld [smem:$0x3FB6];
	_ =	sdelay $0x3  }
0x34: {  	[smem:$0x3FB6] =	sst s10  }
0x35: {  	s10 =	sld [smem:$0x3FB5];
	_ =	sdelay $0x3  }
0x36: {  	p1 =	seq.s32 s10, $0x1;
	s10 =	sld [smem:$0x3FB6];
	_ =	sdelay $0x3  }
0x37: {  	[smem:$0x3FB6] =	sst s10  }
0x38: {  	s10 =	sld [smem:$0x3FB7]  }
0x39: {  	_ = 	snop;
	(pc) =	sbr.ind lr, $3  }
0x3a: {  	_ = 	snop  }
0x3b: {  	_ = 	snop  }
0x3c: {  	p2 =	seq.s32 s10, $0x1;
	s10 =	sld [smem:$0x3FB6]  }
0x3d: {  	_ =	shalt  }
0x3e: {  	_ =	shalt  }
0x3f: {  	_ =	shalt  }
0x40: {  	_ =	shalt  }
0x41: {  	_ =	shalt  }
0x42: {  	_ =	shalt  }
0x43: {  	_ =	shalt  }
0x44: {  	_ =	shalt  }
0x45: {  	_ =	shalt  }
0x46: {  	_ =	shalt  }
0x47: {  	_ =	shalt  }
0x48: {  	_ =	shalt  }
0x49: {  	_ =	shalt  }
0x4a: {  	_ =	shalt  }
0x4b: {  	_ =	shalt  }
0x4c: {  	_ =	shalt  }
0x4d: {  	_ =	shalt  }
0x4e: {  	_ =	shalt  }
0x4f: {  	_ =	shalt  }
0x50: {  	_ =	shalt  }
0x51: {  	_ =	shalt  }
0x52: {  	_ =	shalt  }
0x53: {  	_ =	shalt  }
0x54: {  	_ =	shalt  }
0x55: {  	_ =	shalt  }
0x56: {  	_ =	shalt  }
0x57: {  	_ =	shalt  }
0x58: {  	_ =	shalt  }
0x59: {  	_ =	shalt  }
0x5a: {  	_ =	shalt  }
0x5b: {  	_ =	shalt  }
0x5c: {  	_ =	shalt  }
0x5d: {  	_ =	shalt  }
0x5e: {  	_ =	shalt  }
0x5f: {  	_ =	shalt  }
0x60: {  	_ =	shalt  }
0x61: {  	_ =	shalt  }
0x62: {  	_ =	shalt  }
0x63: {  	_ =	shalt  }
0x64: {  	_ =	shalt  }
0x65: {  	_ =	shalt  }
0x66: {  	_ =	shalt  }
0x67: {  	_ =	shalt  }
0x68: {  	_ =	shalt  }
0x69: {  	_ =	shalt  }
0x6a: {  	_ =	shalt  }
0x6b: {  	_ =	shalt  }
0x6c: {  	_ =	shalt  }
0x6d: {  	_ =	shalt  }
0x6e: {  	_ =	shalt  }
0x6f: {  	_ =	shalt  }
0x70: {  	_ =	shalt  }
0x71: {  	_ =	shalt  }
0x72: {  	_ =	shalt  }
0x73: {  	_ =	shalt  }
0x74: {  	_ =	shalt  }
0x75: {  	_ =	shalt  }
0x76: {  	_ =	shalt  }
0x77: {  	_ =	shalt  }
0x78: {  	_ =	shalt  }
0x79: {  	_ =	shalt  }
0x7a: {  	_ =	shalt  }
0x7b: {  	_ =	shalt  }
0x7c: {  	_ =	shalt  }
0x7d: {  	_ =	shalt  }
0x7e: {  	_ =	shalt  }
0x7f: {  	_ =	shalt  }
0x80: {  	_ =	shalt  }
0x81: {  	_ =	shalt  }
0x82: {  	_ =	shalt  }
0x83: {  	_ =	shalt  }
0x84: {  	_ =	shalt  }
0x85: {  	_ =	shalt  }
0x86: {  	_ =	shalt  }
0x87: {  	_ =	shalt  }
.Lfunc_end0:
.L_simem_size_0:
called_computation.1_lowered:
.L_overlay_start_0:
0x88: {  	s2 =	sld [smem:$0x3FD9]  }
0x89: {  	s3 =	sld [smem:$0x3FFE];
	_ =	sdelay $0x1  }
0x8a: {  	s1 =	srdreg.scid  }
0x8b: {  	s0 =	sand.u32 $0x1, s1  }
0x8c: {  	s17 =	sshll.u32 s0, $0xA;
	s2 =	sadd.s32 s3, s2  }
0x8d: {  	s2 =	sadd.s32 s2, s17  }
0x8e: {  	[smem:$0x3FC2] =	sst s2  }
0x8f: {  	_ = 	snop  }
0x90: {  	s2 =	sld [smem:$0x3FD0];
	(tm) =	ssettm $0x1  }
0x91: {  	s18 =	sld [smem:$0x3FFB];
	_ =	sdelay $0x3  }
0x92: {  	_ =	strace s18  }
0x93: {  	s3 =	sld [smem:$0x3FFC];
	_ =	sdelay $0x3  }
0x94: {  	_ =	strace s3  }
0x95: {  	s3 =	sld [smem:$0x3FFD];
	_ =	sdelay $0x3  }
0x96: {  	_ =	strace s3  }
0x97: {  	_ =	strace $0x8FFFFFFF  }
0x98: {  	s19 =	sld [smem:$0x3FDB];
	_ =	sdelay $0x1  }
0x99: {  	s4 =	simm.s32 $_scs_section_size  }
0x9a: {  	s5 =	simm.s32 $_size__tile_overlayer_lowered;
	s6 =	simm.s32 $_tile_overlayer_lowered  }
0x9b: {  	s22 =	simm.s32 $0x1BFF;
	s21 =	sshll.u32 s6, $0x1;
	s3 =	sadd.s32 s4, s19  }
0x9c: {  	s7 =	simm.s32 $0x0;
	s20 =	sshll.u32 s5, $0x1;
	s5 =	sadd.s32 s21, s3  }
0x9d: {  	[timem:s7], [sflag:s22] =	dma.local [hbm:s5], s20  }
0x9e: {  	_ =	swait.ge [sflag:s22], s20  }
0x9f: {  	s4 =	ssub.s32 $0x0, s20;
	[sflag:s22] =	ssyncset.done $0x0  }
0xa0: {  	[sflag:s22] =	ssyncadd.s32 s4;
	_ =	sdelay $0x1  }
0xa1: {  	s23 =	simm.s32 $0x1B8B  }
0xa2: {  	_ =	swait.ge [sflag:s23], $0x1  }
0xa3: {  	[sflag:s23] =	ssyncset.done $0x0  }
0xa4: {  	s25 =	simm.s32 $0x1B8E;
	s24 =	sld [smem:$0x3FFE];
	[sflag:s23] =	ssyncadd.s32 $0xFFFFFFFF  }
0xa5: {  	s26 =	simm.s32 $execute0_lowered;
	[smem:$0x3FD2] =	sst s25  }
0xa6: {  	s5 =	sshll.u32 s26, $0x1;
	_ =	strace $0x80000049;
	[dreg:$0x1] =	wrdreg $0xFFFFFFFF  }
0xa7: {  	s28 =	simm.s32 $_size_execute0_lowered;
	s3 =	sadd.s32 s3, s5;
	[dreg:$0x0] =	wrdreg $0x0  }
0xa8: {  	s5 =	sshll.u32 s28, $0x1;
	[dreg:$0x2] =	wrdreg s3  }
0xa9: {  	[dreg:$0x3] =	wrdreg s5  }
0xaa: {  	[dreg:$0x4] =	wrdreg $0xC0  }
0xab: {  	_ =	task [dreg:s7], $0x5FFFF  }
0xac: {  	[dreg:$0x1] =	wrdreg $0xFFFFFFFF  }
0xad: {  	[dreg:$0x0] =	wrdreg $0x60  }
0xae: {  	[dreg:$0x2] =	wrdreg s24  }
0xaf: {  	[dreg:$0x3] =	wrdreg s2  }
0xb0: {  	[dreg:$0x4] =	wrdreg $0x144900  }
0xb1: {  	[dreg:$0x5] =	wrdreg $0x9  }
0xb2: {  	_ =	task.clear_ibuf [dreg:s7], $0x6FFFF;
	_ =	strace $0x90000049  }
0xb3: {  	s29 =	simm.s32 $0x9;
	_ =	strace $0x8000004B  }
0xb4: {  	_ =	swait.ge [sflag:s29], $0x1  }
0xb5: {  	[sflag:s29] =	ssyncadd.s32 $0xFFFFFFFF  }
0xb6: {  	_ =	strace $0x9000004B  }
0xb7: {  	_ =	sfence  }
0xb8: {  	s30 =	sld [smem:$0x0];
	_ =	sdelay $0x2  }
0xb9: {  	s31 =	sshll.u32 s1, $0xD;
	s1 =	sshrl.u32 s1, $0x2  }
0xba: {  	s3 =	sand.u32 $0x4000, s31;
	s1 =	sadd.s32 s1, s30  }
0xbb: {  	s0 =	sor.u32 s3, s0;
	s1 =	sshll.u32 s1, $0x11  }
0xbc: {  	s0 =	sor.u32 s1, s0  }
0xbd: {  	s0 =	sadd.s32 $0x8F2B, s0  }
0xbe: {  	[sflag:s0] =	ssyncadd.remote.s32 $0x1  }
0xbf: {  	_ =	sfence.sel $0xFFFF  }
0xc0: {  	[dreg:$0x0] =	wrdreg $0xFFFFFFFF;
	(pc) =	sbr.abs _section_cstart, $3  }
0xc1: {  	[dreg:$0x1] =	wrdreg $0xFFFFFFFF  }
0xc2: {  	_ =	task.clear_ibuf [dreg:s7], $0x2FFFF;
	_ =	strace $0x9FFFFFFF  }
0xc3: {  	(tm) =	ssettm $0x7FFFFFFF  }
tec
execute0_lowered:
.L_overlay_start_1:
0x0: {  	(tag) =	ssettag $0x1  }
0x1: {  	s6 =	rddreg [dreg:$0x0]  }
0x2: {  	s12 =	rddreg [dreg:$0x1]  }
0x3: {  	s1 =	rddreg [dreg:$0x2];
	v0 =	vimm.s32 $0x407;
	vm0 =	vcmask $0x300  }
0x4: {  	s0 =	rddreg [dreg:$0x3];
	s2 =	simm.s32 $0x0;
	vm14 =	vcmask $0x704;
	v0 =	vsel vm0, $0x0, v0  }
0x5: {  	s14 =	stileid.u32;
	vm15 =	vcmask $0xB08;
	s4 =	srdreg.scid;
	s18 =	simm.s32 $0x14480;
	v0 =	vsel vm14, $0x400, v0  }
0x6: {  	vm4 =	vcmask $0xF0C;
	s20 =	simm.s32 $0x13000;
	s21 =	simm.s32 $0x80;
	s22 =	simm.s32 $0x13C00;
	v0 =	vsel vm15, $0x1, v0  }
0x7: {  	vm5 =	vcmask $0x1310;
	s23 =	simm.s32 $0x14400;
	s24 =	simm.s32 $0x0;
	s29 =	simm.s32 $0x2000;
	v0 =	vsel vm4, $0x401, v0  }
0x8: {  	vm6 =	vcmask $0x1714;
	[smem:$0x7FF] =	sst s2;
	s3 =	sshll.u32 s14, $0x9;
	s7 =	sand.u32 $0x1, s4;
	v0 =	vsel vm5, $0x2, v0  }
0x9: {  	vm7 =	vcmask $0x1B18;
	s4 =	sadd.s32 $0x4E00, s6;
	s5 =	sadd.s32 $0x5400, s6;
	s15 =	sshrl.u32 s14, $0x3;
	v0 =	vsel vm6, $0x402, v0  }
0xa: {  	vm8 =	vcmask $0x1F1C;
	s11 =	sshll.u32 s14, $0x7;
	p0 =	sne.s32 s14, $0x0;
	s14 =	simm.s32 $0x1;
	v0 =	vsel vm7, $0x3, v0  }
0xb: {  	vm9 =	vcmask $0x2320;
	_ =	strace $0x8000004A;
	s9 =	sadd.s32 s3, s6;
	s3 =	sadd.s32 $0x5200, s6;
	v0 =	vsel vm8, $0x403, v0  }
0xc: {  	vm10 =	vcmask $0x2724;
	s8 =	ssub.s32 $0x2, s7;
	s6 =	sadd.s32 $0x5C00, s6;
	s7 =	sshll.u32 s7, $0xB;
	v0 =	vsel vm9, $0x4, v0  }
0xd: {  	vm11 =	vcmask $0x2B28;
	s13 =	sshll.u32 s15, $0xA;
	s17 =	sand.u32 $0x380, s11;
	s19 =	sshrl.u32 @!p0 s1, $0x3;
	v0 =	vsel vm10, $0x404, v0  }
0xe: {  	vm12 =	vcmask $0x2F2C;
	s10 =	sshrl.u32 s8, $0x1;
	s31 =	sor.u32 s7, s13;
	s11 =	sshll.u32 s17, $0x4;
	v1 =	vsel vm11, $0x5, v0  }
0xf: {  	vm13 =	vcmask $0x3330;
	vm14 =	vcmask $0x3734;
	s16 =	ssub.s32 s8, s10;
	s8 =	sadd.s32 $0x2E00, s9;
	s13 =	sor.u32 s17, s31;
	v2 =	vsel vm12, $0x405, v1  }
0x10: {  	vm15 =	vcmask $0x3B38;
	s9 =	sadd.s32 $0xE00, s9;
	s10 =	sadd.s32 s11, s1;
	s13 =	sshrl.u32 s13, $0x3;
	v0 =	vmov s15;
	v2 =	vsel vm13, $0x6, v2  }
0x11: {  	s11 =	sor.u32 $0x13800, s17;
	s12 =	sadd.s32 s12, s13;
	s13 =	smax.u32 s16, $0x1;
	v1 =	vmov s17;
	v3 =	vsel vm14, $0x406, v2;
	v2 =	vlaneseq.u32  }
0x12: {  	s16 =	simm.s32 $0x12000;
	s15 =	simm.s32 $0x1000;
	s17 =	simm.s32 $0x13800;
	v3 =	vsel vm15, $0x7, v3;
	v4 =	vshrl.u32 v2, $0x1;
	v5 =	vand.u32 $0x1, v2  }
.LBB2_1:
0x13: {  	[tilespmem:s2], [sflag:$0x1] =	stream.linear.gather [hbm4b:s8+s2], $0x1000, $0x38;
	[tilespmem:$0x14890] =	vst v63  }
0x14: {  	_ =	swait.ge [sflag:s14], $0x1000  }
0x15: {  	[sflag:s14] =	ssyncset.done $0x0  }
0x16: {  	[sflag:s14] =	ssyncadd.s32 $0xFFFFF000  }
0x17: {  	[tilespmem:s15], [sflag:$0x1] =	stream.linear.gather [hbm4b:s9+s2], $0x1000, $0x38;
	[tilespmem:$0x14890] =	vst v63  }
0x18: {  	_ =	swait.ge [sflag:s14], $0x1000  }
0x19: {  	[sflag:s14] =	ssyncset.done $0x0  }
0x1a: {  	[sflag:s14] =	ssyncadd.s32 $0xFFFFF000  }
0x1b: {  	[tilespmem:s16], [sflag:$0x1] =	stream.linear.gather [hbm4b:s3+s2], $0x1000, $0x38;
	[tilespmem:$0x14890] =	vst v63  }
0x1c: {  	_ =	swait.ge [sflag:s14], $0x1000  }
0x1d: {  	[sflag:s14] =	ssyncset.done $0x0  }
0x1e: {  	[sflag:s14] =	ssyncadd.s32 $0xFFFFF000  }
0x1f: {  	[tilespmem:s17], [sflag:$0x1] =	stream.linear.gather [hbm4b:s4+s2], $0x400, $0x38;
	[tilespmem:$0x14890] =	vst v63  }
0x20: {  	_ =	swait.ge [sflag:s14], $0x400  }
0x21: {  	[sflag:s14] =	ssyncset.done $0x0  }
0x22: {  	[sflag:s14] =	ssyncadd.s32 $0xFFFFFC00  }
0x23: {  	[tilespmem:s18], [sflag:$0x1] =	stream.linear.gather [hbm4b:s6+s2], $0x10, $0x38;
	[tilespmem:$0x14890] =	vst v63  }
0x24: {  	_ =	swait.ge [sflag:s14], $0x10  }
0x25: {  	[sflag:s14] =	ssyncset.done $0x0  }
0x26: {  	s25 =	simm.s32 @!p0 $0x1C01;
	[sflag:s14] =	ssyncadd.s32 $0xFFFFFFF0  }
0x27: {  	[spmem:s19], [sflag:s25] =	dma.local @!p0 [hbm:s5], $0x800  }
0x28: {  	s26 =	sor.u32 s7, s2;
	v6 =	vor.u32 s2, v4;
	s25 =	simm.s32 @!p0 $0x1  }
0x29: {  	v7 =	vor.u32 s26, v3;
	_ =	swait.ge @!p0 [sflag:s25], $0x800  }
0x2a: {  	[sflag:s25] =	ssyncset.done @!p0 $0x0  }
0x2b: {  	[sflag:s25] =	ssyncadd.s32 @!p0 $0xFFFFF800  }
0x2c: {  	[bflag:$0x0] =	sbarrier.arrive $0xFFFF  }
0x2d: {  	v6 =	vld.idx.msk [tilespmem:v6+s17+$0x0], $0xffff  }
0x2e: {  	v7 =	vld.idx.msk [tilespmem:v7+s16+$0x0], $0xffff;
	_ =	sdelay $0x1  }
0x2f: {  	s26 =	simm.s32 $0x8  }
0x30: {  	s30 =	sor.u32 s7, s26;
	v8 =	vor.u32 s26, v4  }
0x31: {  	v9 =	vor.u32 s30, v3  }
0x32: {  	v6 =	vmul.f32 v6, v7;
	_ =	sdelay $0x1  }
0x33: {  	[tilespmem:s20+$0x0] =	vst v6  }
0x34: {  	v6 =	vld.idx.msk [tilespmem:v8+s17+$0x0], $0xffff  }
0x35: {  	v8 =	vld.idx.msk [tilespmem:v9+s16+$0x0], $0xffff;
	_ =	sdelay $0x1  }
0x36: {  	s31 =	simm.s32 $0x10  }
0x37: {  	s28 =	sor.u32 s7, s31;
	s26 =	simm.s32 $0x18;
	s25 =	simm.s32 $0x13000;
	v7 =	vor.u32 s31, v4  }
.LBB2_2:
0x38: {  	p1 =	sne.s32 s26, $0x3F8;
	v9 =	vor.u32 s28, v3  }
0x39: {  	v6 =	vmul.f32 v6, v8  }
0x3a: {  	s25 =	sadd.s32 $0x10, s25  }
0x3b: {  	[tilespmem:s25+$0x0] =	vst v6  }
0x3c: {  	v6 =	vld.idx.msk [tilespmem:v7+s17+$0x0], $0xffff  }
.Ltmp0:
0x3d: {  	v8 =	vld.idx.msk [tilespmem:v9+s16+$0x0], $0xffff;
	(pc) =	sbr.rel @p1 .LBB2_2-.Ltmp0, $2  }
0x3e: {  	_ =	sdelay $0x2  }
0x3f: {  	s28 =	sor.u32 s7, s26;
	v7 =	vor.u32 s26, v4;
	s26 =	sadd.s32 $0x8, s26  }
0x40: {  	v9 =	vor.u32 s28, v3  }
0x41: {  	v6 =	vmul.f32 v6, v8  }
0x42: {  	s25 =	sadd.s32 $0x10, s25  }
0x43: {  	[tilespmem:s25+$0x0] =	vst v6  }
0x44: {  	v6 =	vld.idx.msk [tilespmem:v7+s17+$0x0], $0xffff  }
0x45: {  	v7 =	vld.idx.msk [tilespmem:v9+s16+$0x0], $0xffff;
	_ =	sdelay $0x1  }
0x46: {  	p2 =	por $0x1, $0x1  }
.Ltmp1:
0x47: {  	_ = 	snop;
	(pc) =	sbr.rel @!p2 .LBB2_4-.Ltmp1, $4  }
0x48: {  	_ = 	snop  }
0x49: {  	v6 =	vmul.f32 v6, v7  }
0x4a: {  	s26 =	sadd.s32 $0x10, s25;
	s25 =	simm.s32 $0x0  }
0x4b: {  	p1 =	por $0x0, $0x0;
	[tilespmem:s26+$0x0] =	vst v6;
	v6 =	vor.u32 s25, v4;
	s26 =	simm.s32 $0x8  }
0x4c: {  	_ =	sdelay $0x3  }
0x4d: {  	v7 =	vld.idx.msk [tilespmem:v6+s25+$0x0], $0xffff;
	_ =	sdelay $0x4  }
0x4e: {  	v7 =	vshll.u32 v7, $0x1  }
0x4f: {  	v7 =	vor.u32 v5, v7  }
0x50: {  	v8 =	vmov s25;
	p2 =	por $0x1, $0x1  }
.Ltmp2:
0x51: {  	v6 =	vshll.u32 v6, $0x4;
	v8 =	vshll.u32 v8, $0x4;
	(pc) =	sbr.rel @!p2 .LBB2_7-.Ltmp2, $4  }
0x52: {  	v6 =	vand.u32 $0x7F0, v6;
	v8 =	vand.u32 $0xF800, v8  }
0x53: {  	v6 =	vor.u32 v6, v8  }
0x54: {  	v8 =	vor.u32 v5, v6;
	v7 =	vld.idx.msk [tilespmem:v7+s20+$0x0], $0xffff  }
0x55: {  	s28 =	simm.s32 $0x10;
	p1 =	por $0x1, $0x1;
	v6 =	vor.u32 s26, v4  }
.LBB2_6:
0x56: {  	p2 =	sne.s32 s28, $0xFF8;
	_ =	sdelay $0x2  }
0x57: {  	[tilespmem:v8+s29+$0x0] =	vst.idx.msk $0xffff, v7  }
0x58: {  	v7 =	vld.idx.msk [tilespmem:v6+s25+$0x0], $0xffff;
	_ =	sdelay $0x5  }
0x59: {  	v7 =	vshll.u32 v7, $0x1  }
0x5a: {  	v7 =	vor.u32 v5, v7;
	_ =	sdelay $0x1  }
0x5b: {  	v8 =	vmov s26;
	s26 =	smov.u32 s28  }
.Ltmp3:
0x5c: {  	v8 =	vshll.u32 v8, $0x4;
	v6 =	vshll.u32 v6, $0x4;
	(pc) =	sbr.rel @p2 .LBB2_6-.Ltmp3, $4  }
0x5d: {  	v8 =	vand.u32 $0xF800, v8;
	v6 =	vand.u32 $0x7F0, v6  }
0x5e: {  	v6 =	vor.u32 v6, v8;
	v7 =	vld.idx.msk [tilespmem:v7+s20+$0x0], $0xffff  }
0x5f: {  	v8 =	vor.u32 v5, v6  }
0x60: {  	s28 =	sadd.s32 $0x8, s28;
	v6 =	vor.u32 s26, v4  }
.LBB2_7:
0x61: {  	_ =	sdelay $0x2  }
0x62: {  	s28 =	simm.s32 @p1 $0x2000  }
0x63: {  	[tilespmem:v8+s28+$0x0] =	vst.idx.msk @p1 $0xffff, v7  }
0x64: {  	v7 =	vld.idx.msk [tilespmem:v6+s25+$0x0], $0xffff;
	_ =	sdelay $0x4  }
0x65: {  	v7 =	vshll.u32 v7, $0x1  }
0x66: {  	v7 =	vor.u32 v5, v7  }
0x67: {  	v63 =	vmov s26  }
0x68: {  	v8 =	vshll.u32 v63, $0x4;
	v6 =	vshll.u32 v6, $0x4  }
0x69: {  	v8 =	vand.u32 $0xF800, v8;
	v6 =	vand.u32 $0x7F0, v6  }
0x6a: {  	v6 =	vor.u32 v6, v8  }
0x6b: {  	v6 =	vor.u32 v5, v6;
	v7 =	vld.idx.msk [tilespmem:v7+s20+$0x0], $0xffff;
	_ =	sdelay $0x1  }
0x6c: {  	p1 =	por $0x1, $0x1  }
.Ltmp4:
0x6d: {  	_ = 	snop;
	(pc) =	sbr.rel @!p1 .LBB2_9-.Ltmp4, $4  }
0x6e: {  	s25 =	simm.s32 $0x2000  }
0x6f: {  	s31 =	simm.s32 $0x1000;
	[tilespmem:v6+s25+$0x0] =	vst.idx.msk $0xffff, v7  }
0x70: {  	[spmem:s1] =	stream.indirect.scatter.add.f32 [tilespmem:s25], [sflag:$0x1], $0x10, s31, s21, $0xb8;
	[tilespmem:$0x14890] =	vst v63  }
0x71: {  	s26 =	simm.s32 $0x200;
	_ =	swait.ge [sflag:s14], $0x800  }
.LBB2_8:
0x72: {  	s28 =	sshra.s32 s26, $0x2  }
0x73: {  	[sflag:s14] =	ssyncset.done $0x0;
	s25 =	sadd.s32 $0x800, s25;
	p1 =	sne.s32 s26, $0x3E00  }
.Ltmp5:
0x74: {  	s28 =	sadd.s32 $0x1000, s28;
	[sflag:s14] =	ssyncadd.s32 $0xFFFFF800;
	(pc) =	sbr.rel @p1 .LBB2_8-.Ltmp5, $3  }
0x75: {  	[spmem:s1] =	stream.indirect.scatter.add.f32 [tilespmem:s25], [sflag:$0x1], $0x10, s28, s21, $0xb8;
	[tilespmem:$0x14890] =	vst v63  }
0x76: {  	s26 =	sadd.s32 $0x200, s26;
	_ =	sdelay $0x1  }
0x77: {  	_ =	swait.ge [sflag:s14], $0x800  }
.LBB2_9:
0x78: {  	s25 =	simm.s32 $0x0  }
0x79: {  	[sflag:s14] =	ssyncset.done $0x0;
	v6 =	vor.u32 s25, v2  }
0x7a: {  	[sflag:s14] =	ssyncadd.s32 $0xFFFFF800;
	v7 =	vadd.s32 v1, v6;
	v6 =	vshll.u32 v6, $0x4  }
0x7b: {  	[bflag:$0x0] =	sbarrier.arrive $0xFFFF;
	v7 =	vshll.u32 v7, $0x1;
	v6 =	vor.u32 v0, v6  }
0x7c: {  	[tilespmem:s22], [sflag:$0x1] =	stream.linear.gather [spmem:s10], $0x800, $0x38;
	v7 =	vor.u32 v0, v7;
	[tilespmem:$0x14890] =	vst v63  }
0x7d: {  	_ =	swait.ge [sflag:s14], $0x800  }
0x7e: {  	[sflag:s14] =	ssyncset.done $0x0  }
0x7f: {  	[sflag:s14] =	ssyncadd.s32 $0xFFFFF800  }
0x80: {  	v8 =	vld.idx.msk [tilespmem:v6+s22+$0x0], $0xffff  }
0x81: {  	v7 =	vld.idx.msk [tilespmem:v7+s20+$0x0], $0xffff;
	_ =	sdelay $0x1  }
0x82: {  	v9 =	vld [tilespmem:s11+$0x0]  }
0x83: {  	s31 =	simm.s32 $0x10  }
0x84: {  	v10 =	vor.u32 s31, v2;
	v6 =	vld [tilespmem:$0x14480]  }
0x85: {  	v11 =	vadd.s32 v1, v10;
	v7 =	vadd.f32 v7, v8  }
0x86: {  	v8 =	vshll.u32 v11, $0x1  }
0x87: {  	v10 =	vshll.u32 v10, $0x4;
	v8 =	vor.u32 v0, v8;
	v7 =	vmul.f32 v7, v9  }
0x88: {  	v9 =	vor.u32 v0, v10  }
0x89: {  	v7 =	vadd.f32 v7, v6  }
0x8a: {  	s25 =	simm.s32 $0x14400  }
0x8b: {  	[tilespmem:s25+$0x0] =	vst v7  }
0x8c: {  	v11 =	vld.idx.msk [tilespmem:v8+s20+$0x0], $0xffff  }
0x8d: {  	v9 =	vld.idx.msk [tilespmem:v9+s22+$0x0], $0xffff  }
0x8e: {  	s26 =	sadd.s32 $0x10, s11  }
0x8f: {  	v7 =	vld [tilespmem:s26+$0x0]  }
0x90: {  	s28 =	simm.s32 $0x20  }
0x91: {  	v8 =	vor.u32 s28, v2  }
0x92: {  	s28 =	simm.s32 $0x30;
	v10 =	vadd.s32 v1, v8;
	v9 =	vadd.f32 v11, v9  }
.LBB2_10:
0x93: {  	p1 =	sne.s32 s28, $0x70;
	v10 =	vshll.u32 v10, $0x1  }
0x94: {  	v8 =	vshll.u32 v8, $0x4;
	v10 =	vor.u32 v0, v10;
	v7 =	vmul.f32 v9, v7  }
0x95: {  	v8 =	vor.u32 v0, v8  }
0x96: {  	v7 =	vadd.f32 v7, v6  }
0x97: {  	s25 =	sadd.s32 $0x10, s25  }
0x98: {  	[tilespmem:s25+$0x0] =	vst v7  }
0x99: {  	v9 =	vld.idx.msk [tilespmem:v10+s20+$0x0], $0xffff  }
0x9a: {  	v11 =	vld.idx.msk [tilespmem:v8+s22+$0x0], $0xffff;
	_ =	sdelay $0x1  }
.Ltmp6:
0x9b: {  	s26 =	sadd.s32 $0x10, s26;
	(pc) =	sbr.rel @p1 .LBB2_10-.Ltmp6, $3  }
0x9c: {  	v7 =	vld [tilespmem:s26+$0x0];
	_ =	sdelay $0x1  }
0x9d: {  	v8 =	vor.u32 s28, v2  }
0x9e: {  	s28 =	sadd.s32 $0x10, s28;
	v10 =	vadd.s32 v1, v8;
	v9 =	vadd.f32 v9, v11  }
0x9f: {  	v10 =	vshll.u32 v10, $0x1  }
0xa0: {  	v8 =	vshll.u32 v8, $0x4;
	v10 =	vor.u32 v0, v10;
	v7 =	vmul.f32 v9, v7  }
0xa1: {  	v8 =	vor.u32 v0, v8  }
0xa2: {  	v7 =	vadd.f32 v7, v6  }
0xa3: {  	s25 =	sadd.s32 $0x10, s25  }
0xa4: {  	[tilespmem:s25+$0x0] =	vst v7  }
0xa5: {  	v7 =	vld.idx.msk [tilespmem:v10+s20+$0x0], $0xffff  }
0xa6: {  	v8 =	vld.idx.msk [tilespmem:v8+s22+$0x0], $0xffff  }
0xa7: {  	s26 =	sadd.s32 $0x10, s26  }
0xa8: {  	v63 =	vld [tilespmem:s26+$0x0];
	_ =	sdelay $0x2  }
0xa9: {  	v7 =	vadd.f32 v7, v8;
	_ =	sdelay $0x1  }
0xaa: {  	v7 =	vmul.f32 v7, v63;
	_ =	sdelay $0x1  }
0xab: {  	v6 =	vadd.f32 v7, v6  }
0xac: {  	s24 =	sadd.s32 $0x1, s24;
	s25 =	sadd.s32 $0x10, s25  }
0xad: {  	p1 =	sne.s32 s24, s13;
	[tilespmem:s25+$0x0] =	vst v6  }
0xae: {  	[hbm4b:s12+s2] =	stream.linear.scatter [tilespmem:s23], [sflag:$0x1], $0x80, $0x38;
	[tilespmem:$0x14890] =	vst v63  }
.Ltmp7:
0xaf: {  	_ = 	snop;
	(pc) =	sbr.rel @p1 .LBB2_1-.Ltmp7, $4  }
.Ltmp8:
0xb0: {  	_ = 	snop;
	(pc) =	sbr.rel @!p1 .LBB2_12-.Ltmp8, $4  }
0xb1: {  	_ =	swait.ge [sflag:s14], $0x80  }
0xb2: {  	[sflag:s14] =	ssyncset.done $0x0  }
0xb3: {  	[sflag:s14] =	ssyncadd.s32 $0xFFFFFF80  }
0xb4: {  	_ = 	snop  }
.LBB2_4:
.Ltmp9:
0xb5: {  	(pc) =	sbr.rel .LBB2_7-.Ltmp9, $2  }
0xb6: {  	_ =	sdelay $0x2  }
0xb7: {  	s26 =	simm.s32 $0x0  }
.LBB2_12:
0xb8: {  	_ =	sfence.sel $0x180000  }
0xb9: {  	[bflag:$0x0] =	sbarrier.arrive $0xFFFF  }
0xba: {  	_ =	strace $0x9000004A  }
0xbb: {  	s0 =	sadd.s32 @!p0 $0x100000, s0;
	[bflag:$0x2] =	sbarrier.arrive $0xFFFF  }
0xbc: {  	[sflag:s0] =	ssyncadd.tile.s32 @!p0 $0x1;
	_ =	shalt  }
.Lfunc_end2:
_tile_overlayer_lowered:
.L_overlay_start_2:
0xbd: {  	(tag) =	ssettag $0x2  }
0xbe: {  	s0 =	rddreg [dreg:$0x0];
	s2 =	stileid.u32  }
0xbf: {  	s1 =	rddreg [dreg:$0x1];
	p0 =	sne.s32 s2, $0x0  }
0xc0: {  	s3 =	rddreg [dreg:$0x2];
	[bflag:$0x3] =	sbarrier.arrive $0xFFFF;
	s2 =	simm.s32 @!p0 $0x1C01  }
0xc1: {  	[timem:s3], [sflag:s2] =	dma.local @!p0 [hbm:s0], s1  }
0xc2: {  	s0 =	simm.s32 @!p0 $0x1  }
0xc3: {  	_ =	swait.ge @!p0 [sflag:s0], s1  }
0xc4: {  	s1 =	ssub.s32 @!p0 $0x0, s1;
	[sflag:s0] =	ssyncset.done @!p0 $0x0  }
0xc5: {  	[sflag:s0] =	ssyncadd.s32 @!p0 s1  }
0xc6: {  	[bflag:$0x3] =	sbarrier.arrive $0xFFFF  }
0xc7: {  	_ =	shalt  }

</sc_bundles>
